<compile_context>
chip_gen: v7x
topology: tpu7x:2x2x1
jax: 0.10.2.dev20260603
libtpu: 0.0.44.dev20260713+nightly
codegen_flags: <defaults>
</compile_context>

<pallas_src>
import functools

import jax
import jax.numpy as jnp
from jax import lax
from jax.experimental import pallas as pl
from jax.experimental.pallas import tpu as pltpu
from jax.experimental.pallas import tpu_sc as plsc

N_NODES = 10000
N_EDGES = 320000
D = 128

NC = 2
NS = 16
NW = NC * NS
EPW = N_EDGES // NW
K = 80
NCHUNK = EPW // K
RPT = 624
TAIL = N_NODES - NS * RPT
TAIL_RB = NS * RPT


def _sc_scatter_call(x, src, dst, zrows):
    mesh = plsc.VectorSubcoreMesh(core_axis_name="c", subcore_axis_name="s")

    @functools.partial(
        pl.kernel,
        out_type=jax.ShapeDtypeStruct((NC, N_NODES, D), jnp.float32),
        mesh=mesh,
        scratch_types=[
            pltpu.VMEM((EPW,), jnp.int32),
            pltpu.VMEM((EPW,), jnp.int32),
            pltpu.VMEM((K,), jnp.int32),
            pltpu.VMEM((K,), jnp.int32),
            pltpu.VMEM((K, D), jnp.float32),
            pltpu.VMEM((K,), jnp.int32),
            pltpu.VMEM((K,), jnp.int32),
            pltpu.VMEM((K, D), jnp.float32),
            pltpu.VMEM_SHARED((N_NODES, D), jnp.float32),
            pltpu.SemaphoreType.DMA,
            pltpu.SemaphoreType.DMA,
        ],
    )
    def k(x_hbm, src_hbm, dst_hbm, z_hbm, out_hbm,
          src_all, dst_all,
          src_v0, dst_v0, rows_v0,
          src_v1, dst_v1, rows_v1,
          acc, sem0, sem1):
        cid = lax.axis_index("c")
        sid = lax.axis_index("s")
        wid = sid * NC + cid
        tb = wid * EPW
        rb = sid * RPT

        pltpu.sync_copy(z_hbm.at[pl.ds(0, RPT)], acc.at[pl.ds(rb, RPT)])

        @pl.when(sid == 0)
        def _zero_tail():
            pltpu.sync_copy(z_hbm.at[pl.ds(0, TAIL)],
                            acc.at[pl.ds(TAIL_RB, TAIL)])

        pltpu.sync_copy(src_hbm.at[pl.ds(tb, EPW)], src_all)
        pltpu.sync_copy(dst_hbm.at[pl.ds(tb, EPW)], dst_all)
        plsc.subcore_barrier()

        def copy_idx(off, sbuf, dbuf):
            for j in range(K // 16):
                sbuf[pl.ds(j * 16, 16)] = src_all[pl.ds(off + j * 16, 16)]
                dbuf[pl.ds(j * 16, 16)] = dst_all[pl.ds(off + j * 16, 16)]

        copy_idx(0, src_v0, dst_v0)
        pltpu.async_copy(x_hbm.at[src_v0], rows_v0, sem0)

        def pair_body(p, carry):
            copy_idx((2 * p + 1) * K, src_v1, dst_v1)
            pltpu.async_copy(x_hbm.at[src_v1], rows_v1, sem1)
            pltpu.make_async_copy(x_hbm.at[src_v0], rows_v0, sem0).wait()
            pltpu.sync_copy(rows_v0, acc.at[dst_v0], add=True)

            @pl.when(2 * p + 2 < NCHUNK)
            def _():
                copy_idx((2 * p + 2) * K, src_v0, dst_v0)
                pltpu.async_copy(x_hbm.at[src_v0], rows_v0, sem0)

            pltpu.make_async_copy(x_hbm.at[src_v1], rows_v1, sem1).wait()
            pltpu.sync_copy(rows_v1, acc.at[dst_v1], add=True)
            return carry

        lax.fori_loop(0, NCHUNK // 2, pair_body, 0)

        pltpu.make_async_copy(x_hbm.at[src_v0], rows_v0, sem0).wait()
        pltpu.sync_copy(rows_v0, acc.at[dst_v0], add=True)

        plsc.subcore_barrier()

        pltpu.sync_copy(acc.at[pl.ds(rb, RPT)], out_hbm.at[cid, pl.ds(rb, RPT)])

        @pl.when(sid == 0)
        def _write_tail():
            pltpu.sync_copy(acc.at[pl.ds(TAIL_RB, TAIL)],
                            out_hbm.at[cid, pl.ds(TAIL_RB, TAIL)])

    return k(x, src, dst, zrows)


def _tc_linear_call(p0, p1, wt, b2d):
    R = 2000

    def mm_body(p0_ref, p1_ref, wt_ref, b_ref, o_ref):
        s = p0_ref[...] + p1_ref[...]
        o_ref[...] = (
            jnp.dot(s, wt_ref[...], preferred_element_type=jnp.float32)
            + b_ref[...]
        )

    return pl.pallas_call(
        mm_body,
        grid=(N_NODES // R,),
        in_specs=[
            pl.BlockSpec((R, D), lambda i: (i, 0)),
            pl.BlockSpec((R, D), lambda i: (i, 0)),
            pl.BlockSpec((D, D), lambda i: (0, 0)),
            pl.BlockSpec((1, D), lambda i: (0, 0)),
        ],
        out_specs=pl.BlockSpec((R, D), lambda i: (i, 0)),
        out_shape=jax.ShapeDtypeStruct((N_NODES, D), jnp.float32),
    )(p0, p1, wt, b2d)


def kernel(x, edge_index, W, b):
    src = edge_index[0].astype(jnp.int32)
    dst = edge_index[1].astype(jnp.int32)
    zrows = jnp.zeros((RPT, D), jnp.float32)
    partials = _sc_scatter_call(x, src, dst, zrows)
    return _tc_linear_call(partials[0], partials[1], W.T, b.reshape(1, D))

# --- scband reference (transcript-rebuilt; emitter-appended) ---
"""Pipeline reference for scband-gcnlayer-81157702025495 (READ-ONLY COPY).

The authoritative reference and input builder live on the scoring server;
editing this copy changes nothing except your own understanding.
"""

import jax, jax.numpy as jnp
import numpy as np

N_NODES = 10000
N_EDGES = 320000
D_IN = 128
D_OUT = 128

def setup_inputs(seed: int = 0) -> dict:
    key = jax.random.key(seed)
    k1, k2, k3, k4 = jax.random.split(key, 4)
    x = jax.random.normal(k1, (N_NODES, D_IN), dtype=jnp.float32)
    edge_index = jax.random.randint(k2, (2, N_EDGES), 0, N_NODES, dtype=jnp.int64)
    # nn.Linear params: weight [out, in], bias [out]
    bound = 1.0 / np.sqrt(D_IN)
    W = jax.random.uniform(k3, (D_OUT, D_IN), dtype=jnp.float32, minval=-bound, maxval=bound)
    b = jax.random.uniform(k4, (D_OUT,), dtype=jnp.float32, minval=-bound, maxval=bound)
    return {"x": x, "edge_index": edge_index, "W": W, "b": b}

def reference(x, edge_index, W, b):
    src = edge_index[0]
    dst = edge_index[1]
    N = x.shape[0]
    gathered = jnp.take(x, src, axis=0)  # [E, D_in]
    agg = jax.ops.segment_sum(gathered, dst, num_segments=N)  # scatter-sum to dst
    out = agg @ W.T + b
    return out

if __name__ == "__main__":
    import jax
    _d = setup_inputs()
    print(jax.jit(kernel)(*tuple(_d.values())))

</pallas_src>

<mosaic_0001>
#map = affine_map<(d0, d1) -> (0, 0)>
#map1 = affine_map<(d0, d1) -> (0)>
#map2 = affine_map<(d0, d1) -> (0, 0, 0)>
module attributes {stable_mosaic.version = 14 : i64} {
  func.func @k(%arg0: i32, %arg1: i32, %arg2: memref<10000x128xf32, #tpu.memory_space<hbm>>, %arg3: memref<320000xi32, #tpu.memory_space<hbm>>, %arg4: memref<320000xi32, #tpu.memory_space<hbm>>, %arg5: memref<624x128xf32, #tpu.memory_space<hbm>>, %arg6: memref<2x10000x128xf32, #tpu.memory_space<hbm>>, %arg7: memref<10000xi32, #tpu.memory_space<vmem>>, %arg8: memref<10000xi32, #tpu.memory_space<vmem>>, %arg9: memref<80xi32, #tpu.memory_space<vmem>>, %arg10: memref<80xi32, #tpu.memory_space<vmem>>, %arg11: memref<80x128xf32, #tpu.memory_space<vmem>>, %arg12: memref<80xi32, #tpu.memory_space<vmem>>, %arg13: memref<80xi32, #tpu.memory_space<vmem>>, %arg14: memref<80x128xf32, #tpu.memory_space<vmem>>, %arg15: memref<10000x128xf32, #tpu.memory_space<vmem_shared>>, %arg16: memref<!tpu.dma_semaphore, #tpu.memory_space<semaphore_mem>>, %arg17: memref<!tpu.dma_semaphore, #tpu.memory_space<semaphore_mem>>) attributes {dimension_semantics = [#tpu.dimension_semantics<core_parallel>, #tpu.dimension_semantics<subcore_parallel>], iteration_bounds = array<i64: 2, 16>, scalar_prefetch = 0 : i64, scratch_operands = 11 : i64, tpu.core_type = #tpu.core_type<sc_vector_subcore>, window_params = [{transform_indices = #map}, {transform_indices = #map1}, {transform_indices = #map1}, {transform_indices = #map}, {transform_indices = #map2}]} {
    %mul3A = arith.constant 2 : i32
    %mul3A_0 = arith.muli %arg1, %mul3A : i32
    %add3A = arith.addi %mul3A_0, %arg0 : i32
    %mul3A_1 = arith.constant 10000 : i32
    %mul3A_2 = arith.muli %add3A, %mul3A_1 : i32
    %mul3A_3 = arith.constant 624 : i32
    %mul3A_4 = arith.muli %arg1, %mul3A_3 : i32
    "tpu.region"() ({
      %run_scoped3A = tpu.sem_alloc : memref<!tpu.dma_semaphore, #tpu.memory_space<semaphore_mem>>
      %dma_start3A_90 = arith.constant 0 : i32
      %dma_start3A_91 = tpu.memref_slice %arg15[%mul3A_4, %dma_start3A_90] : memref<10000x128xf32, #tpu.memory_space<vmem_shared>> -> memref<624x128xf32, #tpu.memory_space<vmem_shared>>
      %dma_start3A_92 = arith.constant 0 : i32
      %dma_start3A_93 = arith.constant 0 : i32
      %dma_start3A_94 = tpu.memref_slice %arg5[%dma_start3A_92, %dma_start3A_93] : memref<624x128xf32, #tpu.memory_space<hbm>> -> memref<624x128xf32, #tpu.memory_space<hbm>>
      tpu.enqueue_dma source(%dma_start3A_94 : memref<624x128xf32, #tpu.memory_space<hbm>>) target(%dma_start3A_91 : memref<624x128xf32, #tpu.memory_space<vmem_shared>>) target_semaphore(%run_scoped3A : memref<!tpu.dma_semaphore, #tpu.memory_space<semaphore_mem>>)
      %dma_wait3A_95 = arith.constant 0 : i32
      %dma_wait3A_96 = tpu.memref_slice %arg15[%mul3A_4, %dma_wait3A_95] : memref<10000x128xf32, #tpu.memory_space<vmem_shared>> -> memref<624x128xf32, #tpu.memory_space<vmem_shared>>
      %dma_wait3A_97 = arith.constant 0 : i32
      %dma_wait3A_98 = arith.constant 0 : i32
      %dma_wait3A_99 = tpu.memref_slice %arg5[%dma_wait3A_97, %dma_wait3A_98] : memref<624x128xf32, #tpu.memory_space<hbm>> -> memref<624x128xf32, #tpu.memory_space<hbm>>
      tpu.wait_dma2 semaphore(%run_scoped3A : memref<!tpu.dma_semaphore, #tpu.memory_space<semaphore_mem>>) src(%dma_wait3A_99 : memref<624x128xf32, #tpu.memory_space<hbm>>) dst(%dma_wait3A_96 : memref<624x128xf32, #tpu.memory_space<vmem_shared>>)
      tpu.yield
    }) : () -> ()
    %eq3A = arith.constant 0 : i32
    %eq3A_5 = arith.cmpi eq, %arg1, %eq3A : i32
    %convert_element_type3A = arith.extui %eq3A_5 : i1 to i32
    %cond3A = arith.constant 0 : i32
    %cond3A_6 = arith.cmpi ne, %convert_element_type3A, %cond3A : i32
    scf.if %cond3A_6 {
      "tpu.region"() ({
        %run_scoped3A = tpu.sem_alloc : memref<!tpu.dma_semaphore, #tpu.memory_space<semaphore_mem>>
        %dma_start3A_90 = arith.constant 9984 : i32
        %dma_start3A_91 = arith.constant 0 : i32
        %dma_start3A_92 = tpu.memref_slice %arg15[%dma_start3A_90, %dma_start3A_91] : memref<10000x128xf32, #tpu.memory_space<vmem_shared>> -> memref<16x128xf32, #tpu.memory_space<vmem_shared>>
        %dma_start3A_93 = arith.constant 0 : i32
        %dma_start3A_94 = arith.constant 0 : i32
        %dma_start3A_95 = tpu.memref_slice %arg5[%dma_start3A_93, %dma_start3A_94] : memref<624x128xf32, #tpu.memory_space<hbm>> -> memref<16x128xf32, #tpu.memory_space<hbm>>
        tpu.enqueue_dma source(%dma_start3A_95 : memref<16x128xf32, #tpu.memory_space<hbm>>) target(%dma_start3A_92 : memref<16x128xf32, #tpu.memory_space<vmem_shared>>) target_semaphore(%run_scoped3A : memref<!tpu.dma_semaphore, #tpu.memory_space<semaphore_mem>>)
        %dma_wait3A_96 = arith.constant 9984 : i32
        %dma_wait3A_97 = arith.constant 0 : i32
        %dma_wait3A_98 = tpu.memref_slice %arg15[%dma_wait3A_96, %dma_wait3A_97] : memref<10000x128xf32, #tpu.memory_space<vmem_shared>> -> memref<16x128xf32, #tpu.memory_space<vmem_shared>>
        %dma_wait3A_99 = arith.constant 0 : i32
        %dma_wait3A_100 = arith.constant 0 : i32
        %dma_wait3A_101 = tpu.memref_slice %arg5[%dma_wait3A_99, %dma_wait3A_100] : memref<624x128xf32, #tpu.memory_space<hbm>> -> memref<16x128xf32, #tpu.memory_space<hbm>>
        tpu.wait_dma2 semaphore(%run_scoped3A : memref<!tpu.dma_semaphore, #tpu.memory_space<semaphore_mem>>) src(%dma_wait3A_101 : memref<16x128xf32, #tpu.memory_space<hbm>>) dst(%dma_wait3A_98 : memref<16x128xf32, #tpu.memory_space<vmem_shared>>)
        tpu.yield
      }) : () -> ()
    } else {
    }
    "tpu.region"() ({
      %run_scoped3A = tpu.sem_alloc : memref<!tpu.dma_semaphore, #tpu.memory_space<semaphore_mem>>
      %dma_start3A_90 = tpu.memref_slice %arg3[%mul3A_2] : memref<320000xi32, #tpu.memory_space<hbm>> -> memref<10000xi32, #tpu.memory_space<hbm>>
      %dma_start3A_91 = tpu.memref_slice %arg3[%mul3A_2] : memref<320000xi32, #tpu.memory_space<hbm>> -> memref<10000xi32, #tpu.memory_space<hbm>>
      tpu.enqueue_dma source(%dma_start3A_91 : memref<10000xi32, #tpu.memory_space<hbm>>) target(%arg7 : memref<10000xi32, #tpu.memory_space<vmem>>) target_semaphore(%run_scoped3A : memref<!tpu.dma_semaphore, #tpu.memory_space<semaphore_mem>>)
      %dma_wait3A_92 = tpu.memref_slice %arg3[%mul3A_2] : memref<320000xi32, #tpu.memory_space<hbm>> -> memref<10000xi32, #tpu.memory_space<hbm>>
      %dma_wait3A_93 = tpu.memref_slice %arg3[%mul3A_2] : memref<320000xi32, #tpu.memory_space<hbm>> -> memref<10000xi32, #tpu.memory_space<hbm>>
      tpu.wait_dma2 semaphore(%run_scoped3A : memref<!tpu.dma_semaphore, #tpu.memory_space<semaphore_mem>>) src(%dma_wait3A_93 : memref<10000xi32, #tpu.memory_space<hbm>>) dst(%arg7 : memref<10000xi32, #tpu.memory_space<vmem>>)
      tpu.yield
    }) : () -> ()
    "tpu.region"() ({
      %run_scoped3A = tpu.sem_alloc : memref<!tpu.dma_semaphore, #tpu.memory_space<semaphore_mem>>
      %dma_start3A_90 = tpu.memref_slice %arg4[%mul3A_2] : memref<320000xi32, #tpu.memory_space<hbm>> -> memref<10000xi32, #tpu.memory_space<hbm>>
      %dma_start3A_91 = tpu.memref_slice %arg4[%mul3A_2] : memref<320000xi32, #tpu.memory_space<hbm>> -> memref<10000xi32, #tpu.memory_space<hbm>>
      tpu.enqueue_dma source(%dma_start3A_91 : memref<10000xi32, #tpu.memory_space<hbm>>) target(%arg8 : memref<10000xi32, #tpu.memory_space<vmem>>) target_semaphore(%run_scoped3A : memref<!tpu.dma_semaphore, #tpu.memory_space<semaphore_mem>>)
      %dma_wait3A_92 = tpu.memref_slice %arg4[%mul3A_2] : memref<320000xi32, #tpu.memory_space<hbm>> -> memref<10000xi32, #tpu.memory_space<hbm>>
      %dma_wait3A_93 = tpu.memref_slice %arg4[%mul3A_2] : memref<320000xi32, #tpu.memory_space<hbm>> -> memref<10000xi32, #tpu.memory_space<hbm>>
      tpu.wait_dma2 semaphore(%run_scoped3A : memref<!tpu.dma_semaphore, #tpu.memory_space<semaphore_mem>>) src(%dma_wait3A_93 : memref<10000xi32, #tpu.memory_space<hbm>>) dst(%arg8 : memref<10000xi32, #tpu.memory_space<vmem>>)
      tpu.yield
    }) : () -> ()
    %barrier3A = arith.constant 0 : index
    tpu.barrier barrier_id(%barrier3A)
    %get3A = arith.constant 0 : index
    %get3A_7 = tpu.vector_load %arg7[%get3A] {strides = array<i32>} : memref<10000xi32, #tpu.memory_space<vmem>>, vector<16xi32>,
    %get3A_8 = vector.shape_cast %get3A_7 : vector<16xi32> to vector<16xi32>
    %swap3A = arith.constant 0 : index
    %swap3A_9 = tpu.vector_load %arg9[%swap3A] {strides = array<i32>} : memref<80xi32, #tpu.memory_space<vmem>>, vector<16xi32>,
    %swap3A_10 = vector.shape_cast %swap3A_9 : vector<16xi32> to vector<16xi32>
    %swap3A_11 = vector.shape_cast %get3A_8 : vector<16xi32> to vector<16xi32>
    tpu.vector_store %arg9[%swap3A], %swap3A_11 {strides = array<i32>} : memref<80xi32, #tpu.memory_space<vmem>>, vector<16xi32>,
    %get3A_12 = arith.constant 0 : index
    %get3A_13 = tpu.vector_load %arg8[%get3A_12] {strides = array<i32>} : memref<10000xi32, #tpu.memory_space<vmem>>, vector<16xi32>,
    %get3A_14 = vector.shape_cast %get3A_13 : vector<16xi32> to vector<16xi32>
    %swap3A_15 = arith.constant 0 : index
    %swap3A_16 = tpu.vector_load %arg10[%swap3A_15] {strides = array<i32>} : memref<80xi32, #tpu.memory_space<vmem>>, vector<16xi32>,
    %swap3A_17 = vector.shape_cast %swap3A_16 : vector<16xi32> to vector<16xi32>
    %swap3A_18 = vector.shape_cast %get3A_14 : vector<16xi32> to vector<16xi32>
    tpu.vector_store %arg10[%swap3A_15], %swap3A_18 {strides = array<i32>} : memref<80xi32, #tpu.memory_space<vmem>>, vector<16xi32>,
    %get3A_19 = arith.constant 16 : index
    %get3A_20 = tpu.vector_load %arg7[%get3A_19] {strides = array<i32>} : memref<10000xi32, #tpu.memory_space<vmem>>, vector<16xi32>,
    %get3A_21 = vector.shape_cast %get3A_20 : vector<16xi32> to vector<16xi32>
    %swap3A_22 = arith.constant 16 : index
    %swap3A_23 = tpu.vector_load %arg9[%swap3A_22] {strides = array<i32>} : memref<80xi32, #tpu.memory_space<vmem>>, vector<16xi32>,
    %swap3A_24 = vector.shape_cast %swap3A_23 : vector<16xi32> to vector<16xi32>
    %swap3A_25 = vector.shape_cast %get3A_21 : vector<16xi32> to vector<16xi32>
    tpu.vector_store %arg9[%swap3A_22], %swap3A_25 {strides = array<i32>} : memref<80xi32, #tpu.memory_space<vmem>>, vector<16xi32>,
    %get3A_26 = arith.constant 16 : index
    %get3A_27 = tpu.vector_load %arg8[%get3A_26] {strides = array<i32>} : memref<10000xi32, #tpu.memory_space<vmem>>, vector<16xi32>,
    %get3A_28 = vector.shape_cast %get3A_27 : vector<16xi32> to vector<16xi32>
    %swap3A_29 = arith.constant 16 : index
    %swap3A_30 = tpu.vector_load %arg10[%swap3A_29] {strides = array<i32>} : memref<80xi32, #tpu.memory_space<vmem>>, vector<16xi32>,
    %swap3A_31 = vector.shape_cast %swap3A_30 : vector<16xi32> to vector<16xi32>
    %swap3A_32 = vector.shape_cast %get3A_28 : vector<16xi32> to vector<16xi32>
    tpu.vector_store %arg10[%swap3A_29], %swap3A_32 {strides = array<i32>} : memref<80xi32, #tpu.memory_space<vmem>>, vector<16xi32>,
    %get3A_33 = arith.constant 32 : index
    %get3A_34 = tpu.vector_load %arg7[%get3A_33] {strides = array<i32>} : memref<10000xi32, #tpu.memory_space<vmem>>, vector<16xi32>,
    %get3A_35 = vector.shape_cast %get3A_34 : vector<16xi32> to vector<16xi32>
    %swap3A_36 = arith.constant 32 : index
    %swap3A_37 = tpu.vector_load %arg9[%swap3A_36] {strides = array<i32>} : memref<80xi32, #tpu.memory_space<vmem>>, vector<16xi32>,
    %swap3A_38 = vector.shape_cast %swap3A_37 : vector<16xi32> to vector<16xi32>
    %swap3A_39 = vector.shape_cast %get3A_35 : vector<16xi32> to vector<16xi32>
    tpu.vector_store %arg9[%swap3A_36], %swap3A_39 {strides = array<i32>} : memref<80xi32, #tpu.memory_space<vmem>>, vector<16xi32>,
    %get3A_40 = arith.constant 32 : index
    %get3A_41 = tpu.vector_load %arg8[%get3A_40] {strides = array<i32>} : memref<10000xi32, #tpu.memory_space<vmem>>, vector<16xi32>,
    %get3A_42 = vector.shape_cast %get3A_41 : vector<16xi32> to vector<16xi32>
    %swap3A_43 = arith.constant 32 : index
    %swap3A_44 = tpu.vector_load %arg10[%swap3A_43] {strides = array<i32>} : memref<80xi32, #tpu.memory_space<vmem>>, vector<16xi32>,
    %swap3A_45 = vector.shape_cast %swap3A_44 : vector<16xi32> to vector<16xi32>
    %swap3A_46 = vector.shape_cast %get3A_42 : vector<16xi32> to vector<16xi32>
    tpu.vector_store %arg10[%swap3A_43], %swap3A_46 {strides = array<i32>} : memref<80xi32, #tpu.memory_space<vmem>>, vector<16xi32>,
    %get3A_47 = arith.constant 48 : index
    %get3A_48 = tpu.vector_load %arg7[%get3A_47] {strides = array<i32>} : memref<10000xi32, #tpu.memory_space<vmem>>, vector<16xi32>,
    %get3A_49 = vector.shape_cast %get3A_48 : vector<16xi32> to vector<16xi32>
    %swap3A_50 = arith.constant 48 : index
    %swap3A_51 = tpu.vector_load %arg9[%swap3A_50] {strides = array<i32>} : memref<80xi32, #tpu.memory_space<vmem>>, vector<16xi32>,
    %swap3A_52 = vector.shape_cast %swap3A_51 : vector<16xi32> to vector<16xi32>
    %swap3A_53 = vector.shape_cast %get3A_49 : vector<16xi32> to vector<16xi32>
    tpu.vector_store %arg9[%swap3A_50], %swap3A_53 {strides = array<i32>} : memref<80xi32, #tpu.memory_space<vmem>>, vector<16xi32>,
    %get3A_54 = arith.constant 48 : index
    %get3A_55 = tpu.vector_load %arg8[%get3A_54] {strides = array<i32>} : memref<10000xi32, #tpu.memory_space<vmem>>, vector<16xi32>,
    %get3A_56 = vector.shape_cast %get3A_55 : vector<16xi32> to vector<16xi32>
    %swap3A_57 = arith.constant 48 : index
    %swap3A_58 = tpu.vector_load %arg10[%swap3A_57] {strides = array<i32>} : memref<80xi32, #tpu.memory_space<vmem>>, vector<16xi32>,
    %swap3A_59 = vector.shape_cast %swap3A_58 : vector<16xi32> to vector<16xi32>
    %swap3A_60 = vector.shape_cast %get3A_56 : vector<16xi32> to vector<16xi32>
    tpu.vector_store %arg10[%swap3A_57], %swap3A_60 {strides = array<i32>} : memref<80xi32, #tpu.memory_space<vmem>>, vector<16xi32>,
    %get3A_61 = arith.constant 64 : index
    %get3A_62 = tpu.vector_load %arg7[%get3A_61] {strides = array<i32>} : memref<10000xi32, #tpu.memory_space<vmem>>, vector<16xi32>,
    %get3A_63 = vector.shape_cast %get3A_62 : vector<16xi32> to vector<16xi32>
    %swap3A_64 = arith.constant 64 : index
    %swap3A_65 = tpu.vector_load %arg9[%swap3A_64] {strides = array<i32>} : memref<80xi32, #tpu.memory_space<vmem>>, vector<16xi32>,
    %swap3A_66 = vector.shape_cast %swap3A_65 : vector<16xi32> to vector<16xi32>
    %swap3A_67 = vector.shape_cast %get3A_63 : vector<16xi32> to vector<16xi32>
    tpu.vector_store %arg9[%swap3A_64], %swap3A_67 {strides = array<i32>} : memref<80xi32, #tpu.memory_space<vmem>>, vector<16xi32>,
    %get3A_68 = arith.constant 64 : index
    %get3A_69 = tpu.vector_load %arg8[%get3A_68] {strides = array<i32>} : memref<10000xi32, #tpu.memory_space<vmem>>, vector<16xi32>,
    %get3A_70 = vector.shape_cast %get3A_69 : vector<16xi32> to vector<16xi32>
    %swap3A_71 = arith.constant 64 : index
    %swap3A_72 = tpu.vector_load %arg10[%swap3A_71] {strides = array<i32>} : memref<80xi32, #tpu.memory_space<vmem>>, vector<16xi32>,
    %swap3A_73 = vector.shape_cast %swap3A_72 : vector<16xi32> to vector<16xi32>
    %swap3A_74 = vector.shape_cast %get3A_70 : vector<16xi32> to vector<16xi32>
    tpu.vector_store %arg10[%swap3A_71], %swap3A_74 {strides = array<i32>} : memref<80xi32, #tpu.memory_space<vmem>>, vector<16xi32>,
    %dma_start3A = arith.constant 0 : i32
    %dma_start3A_75 = arith.constant 0 : i32
    %dma_start3A_76 = tpu.memref_slice %arg2[%dma_start3A, %dma_start3A_75] : memref<10000x128xf32, #tpu.memory_space<hbm>> -> memref<10000x128xf32, #tpu.memory_space<hbm>>
    tpu.enqueue_indirect_dma source(%dma_start3A_76 : memref<10000x128xf32, #tpu.memory_space<hbm>>) target(%arg11 : memref<80x128xf32, #tpu.memory_space<vmem>>) offsets(%arg9 : memref<80xi32, #tpu.memory_space<vmem>>) semaphore(%arg16 : memref<!tpu.dma_semaphore, #tpu.memory_space<semaphore_mem>>)
    %scan3A = arith.constant 0 : i32
    %scan3A_77 = arith.constant 0 : i32
    %scan3A_78 = arith.constant 62 : i32
    %scan3A_79 = arith.addi %scan3A_77, %scan3A_78 : i32
    %scan3A_80 = arith.constant 1 : i32
    scf.for %scan3A_90 = %scan3A_77 to %scan3A_79 step %scan3A_80  : i32 {
      %mul3A_91 = arith.constant 2 : i32
      %mul3A_92 = arith.muli %mul3A_91, %scan3A_90 : i32
      %add3A_93 = arith.constant 1 : i32
      %add3A_94 = arith.addi %mul3A_92, %add3A_93 : i32
      %mul3A_95 = arith.constant 80 : i32
      %mul3A_96 = arith.muli %add3A_94, %mul3A_95 : i32
      %add3A_97 = arith.constant 0 : i32
      %add3A_98 = arith.addi %mul3A_96, %add3A_97 : i32
      %get3A_99 = arith.index_cast %add3A_98 : i32 to index
      %get3A_100 = tpu.vector_load %arg7[%get3A_99] {strides = array<i32>} : memref<10000xi32, #tpu.memory_space<vmem>>, vector<16xi32>,
      %get3A_101 = vector.shape_cast %get3A_100 : vector<16xi32> to vector<16xi32>
      %swap3A_102 = arith.constant 0 : index
      %swap3A_103 = tpu.vector_load %arg12[%swap3A_102] {strides = array<i32>} : memref<80xi32, #tpu.memory_space<vmem>>, vector<16xi32>,
      %swap3A_104 = vector.shape_cast %swap3A_103 : vector<16xi32> to vector<16xi32>
      %swap3A_105 = vector.shape_cast %get3A_101 : vector<16xi32> to vector<16xi32>
      tpu.vector_store %arg12[%swap3A_102], %swap3A_105 {strides = array<i32>} : memref<80xi32, #tpu.memory_space<vmem>>, vector<16xi32>,
      %add3A_106 = arith.constant 0 : i32
      %add3A_107 = arith.addi %mul3A_96, %add3A_106 : i32
      %get3A_108 = arith.index_cast %add3A_107 : i32 to index
      %get3A_109 = tpu.vector_load %arg8[%get3A_108] {strides = array<i32>} : memref<10000xi32, #tpu.memory_space<vmem>>, vector<16xi32>,
      %get3A_110 = vector.shape_cast %get3A_109 : vector<16xi32> to vector<16xi32>
      %swap3A_111 = arith.constant 0 : index
      %swap3A_112 = tpu.vector_load %arg13[%swap3A_111] {strides = array<i32>} : memref<80xi32, #tpu.memory_space<vmem>>, vector<16xi32>,
      %swap3A_113 = vector.shape_cast %swap3A_112 : vector<16xi32> to vector<16xi32>
      %swap3A_114 = vector.shape_cast %get3A_110 : vector<16xi32> to vector<16xi32>
      tpu.vector_store %arg13[%swap3A_111], %swap3A_114 {strides = array<i32>} : memref<80xi32, #tpu.memory_space<vmem>>, vector<16xi32>,
      %add3A_115 = arith.constant 16 : i32
      %add3A_116 = arith.addi %mul3A_96, %add3A_115 : i32
      %get3A_117 = arith.index_cast %add3A_116 : i32 to index
      %get3A_118 = tpu.vector_load %arg7[%get3A_117] {strides = array<i32>} : memref<10000xi32, #tpu.memory_space<vmem>>, vector<16xi32>,
      %get3A_119 = vector.shape_cast %get3A_118 : vector<16xi32> to vector<16xi32>
      %swap3A_120 = arith.constant 16 : index
      %swap3A_121 = tpu.vector_load %arg12[%swap3A_120] {strides = array<i32>} : memref<80xi32, #tpu.memory_space<vmem>>, vector<16xi32>,
      %swap3A_122 = vector.shape_cast %swap3A_121 : vector<16xi32> to vector<16xi32>
      %swap3A_123 = vector.shape_cast %get3A_119 : vector<16xi32> to vector<16xi32>
      tpu.vector_store %arg12[%swap3A_120], %swap3A_123 {strides = array<i32>} : memref<80xi32, #tpu.memory_space<vmem>>, vector<16xi32>,
      %add3A_124 = arith.constant 16 : i32
      %add3A_125 = arith.addi %mul3A_96, %add3A_124 : i32
      %get3A_126 = arith.index_cast %add3A_125 : i32 to index
      %get3A_127 = tpu.vector_load %arg8[%get3A_126] {strides = array<i32>} : memref<10000xi32, #tpu.memory_space<vmem>>, vector<16xi32>,
      %get3A_128 = vector.shape_cast %get3A_127 : vector<16xi32> to vector<16xi32>
      %swap3A_129 = arith.constant 16 : index
      %swap3A_130 = tpu.vector_load %arg13[%swap3A_129] {strides = array<i32>} : memref<80xi32, #tpu.memory_space<vmem>>, vector<16xi32>,
      %swap3A_131 = vector.shape_cast %swap3A_130 : vector<16xi32> to vector<16xi32>
      %swap3A_132 = vector.shape_cast %get3A_128 : vector<16xi32> to vector<16xi32>
      tpu.vector_store %arg13[%swap3A_129], %swap3A_132 {strides = array<i32>} : memref<80xi32, #tpu.memory_space<vmem>>, vector<16xi32>,
      %add3A_133 = arith.constant 32 : i32
      %add3A_134 = arith.addi %mul3A_96, %add3A_133 : i32
      %get3A_135 = arith.index_cast %add3A_134 : i32 to index
      %get3A_136 = tpu.vector_load %arg7[%get3A_135] {strides = array<i32>} : memref<10000xi32, #tpu.memory_space<vmem>>, vector<16xi32>,
      %get3A_137 = vector.shape_cast %get3A_136 : vector<16xi32> to vector<16xi32>
      %swap3A_138 = arith.constant 32 : index
      %swap3A_139 = tpu.vector_load %arg12[%swap3A_138] {strides = array<i32>} : memref<80xi32, #tpu.memory_space<vmem>>, vector<16xi32>,
      %swap3A_140 = vector.shape_cast %swap3A_139 : vector<16xi32> to vector<16xi32>
      %swap3A_141 = vector.shape_cast %get3A_137 : vector<16xi32> to vector<16xi32>
      tpu.vector_store %arg12[%swap3A_138], %swap3A_141 {strides = array<i32>} : memref<80xi32, #tpu.memory_space<vmem>>, vector<16xi32>,
      %add3A_142 = arith.constant 32 : i32
      %add3A_143 = arith.addi %mul3A_96, %add3A_142 : i32
      %get3A_144 = arith.index_cast %add3A_143 : i32 to index
      %get3A_145 = tpu.vector_load %arg8[%get3A_144] {strides = array<i32>} : memref<10000xi32, #tpu.memory_space<vmem>>, vector<16xi32>,
      %get3A_146 = vector.shape_cast %get3A_145 : vector<16xi32> to vector<16xi32>
      %swap3A_147 = arith.constant 32 : index
      %swap3A_148 = tpu.vector_load %arg13[%swap3A_147] {strides = array<i32>} : memref<80xi32, #tpu.memory_space<vmem>>, vector<16xi32>,
      %swap3A_149 = vector.shape_cast %swap3A_148 : vector<16xi32> to vector<16xi32>
      %swap3A_150 = vector.shape_cast %get3A_146 : vector<16xi32> to vector<16xi32>
      tpu.vector_store %arg13[%swap3A_147], %swap3A_150 {strides = array<i32>} : memref<80xi32, #tpu.memory_space<vmem>>, vector<16xi32>,
      %add3A_151 = arith.constant 48 : i32
      %add3A_152 = arith.addi %mul3A_96, %add3A_151 : i32
      %get3A_153 = arith.index_cast %add3A_152 : i32 to index
      %get3A_154 = tpu.vector_load %arg7[%get3A_153] {strides = array<i32>} : memref<10000xi32, #tpu.memory_space<vmem>>, vector<16xi32>,
      %get3A_155 = vector.shape_cast %get3A_154 : vector<16xi32> to vector<16xi32>
      %swap3A_156 = arith.constant 48 : index
      %swap3A_157 = tpu.vector_load %arg12[%swap3A_156] {strides = array<i32>} : memref<80xi32, #tpu.memory_space<vmem>>, vector<16xi32>,
      %swap3A_158 = vector.shape_cast %swap3A_157 : vector<16xi32> to vector<16xi32>
      %swap3A_159 = vector.shape_cast %get3A_155 : vector<16xi32> to vector<16xi32>
      tpu.vector_store %arg12[%swap3A_156], %swap3A_159 {strides = array<i32>} : memref<80xi32, #tpu.memory_space<vmem>>, vector<16xi32>,
      %add3A_160 = arith.constant 48 : i32
      %add3A_161 = arith.addi %mul3A_96, %add3A_160 : i32
      %get3A_162 = arith.index_cast %add3A_161 : i32 to index
      %get3A_163 = tpu.vector_load %arg8[%get3A_162] {strides = array<i32>} : memref<10000xi32, #tpu.memory_space<vmem>>, vector<16xi32>,
      %get3A_164 = vector.shape_cast %get3A_163 : vector<16xi32> to vector<16xi32>
      %swap3A_165 = arith.constant 48 : index
      %swap3A_166 = tpu.vector_load %arg13[%swap3A_165] {strides = array<i32>} : memref<80xi32, #tpu.memory_space<vmem>>, vector<16xi32>,
      %swap3A_167 = vector.shape_cast %swap3A_166 : vector<16xi32> to vector<16xi32>
      %swap3A_168 = vector.shape_cast %get3A_164 : vector<16xi32> to vector<16xi32>
      tpu.vector_store %arg13[%swap3A_165], %swap3A_168 {strides = array<i32>} : memref<80xi32, #tpu.memory_space<vmem>>, vector<16xi32>,
      %add3A_169 = arith.constant 64 : i32
      %add3A_170 = arith.addi %mul3A_96, %add3A_169 : i32
      %get3A_171 = arith.index_cast %add3A_170 : i32 to index
      %get3A_172 = tpu.vector_load %arg7[%get3A_171] {strides = array<i32>} : memref<10000xi32, #tpu.memory_space<vmem>>, vector<16xi32>,
      %get3A_173 = vector.shape_cast %get3A_172 : vector<16xi32> to vector<16xi32>
      %swap3A_174 = arith.constant 64 : index
      %swap3A_175 = tpu.vector_load %arg12[%swap3A_174] {strides = array<i32>} : memref<80xi32, #tpu.memory_space<vmem>>, vector<16xi32>,
      %swap3A_176 = vector.shape_cast %swap3A_175 : vector<16xi32> to vector<16xi32>
      %swap3A_177 = vector.shape_cast %get3A_173 : vector<16xi32> to vector<16xi32>
      tpu.vector_store %arg12[%swap3A_174], %swap3A_177 {strides = array<i32>} : memref<80xi32, #tpu.memory_space<vmem>>, vector<16xi32>,
      %add3A_178 = arith.constant 64 : i32
      %add3A_179 = arith.addi %mul3A_96, %add3A_178 : i32
      %get3A_180 = arith.index_cast %add3A_179 : i32 to index
      %get3A_181 = tpu.vector_load %arg8[%get3A_180] {strides = array<i32>} : memref<10000xi32, #tpu.memory_space<vmem>>, vector<16xi32>,
      %get3A_182 = vector.shape_cast %get3A_181 : vector<16xi32> to vector<16xi32>
      %swap3A_183 = arith.constant 64 : index
      %swap3A_184 = tpu.vector_load %arg13[%swap3A_183] {strides = array<i32>} : memref<80xi32, #tpu.memory_space<vmem>>, vector<16xi32>,
      %swap3A_185 = vector.shape_cast %swap3A_184 : vector<16xi32> to vector<16xi32>
      %swap3A_186 = vector.shape_cast %get3A_182 : vector<16xi32> to vector<16xi32>
      tpu.vector_store %arg13[%swap3A_183], %swap3A_186 {strides = array<i32>} : memref<80xi32, #tpu.memory_space<vmem>>, vector<16xi32>,
      %dma_start3A_187 = arith.constant 0 : i32
      %dma_start3A_188 = arith.constant 0 : i32
      %dma_start3A_189 = tpu.memref_slice %arg2[%dma_start3A_187, %dma_start3A_188] : memref<10000x128xf32, #tpu.memory_space<hbm>> -> memref<10000x128xf32, #tpu.memory_space<hbm>>
      tpu.enqueue_indirect_dma source(%dma_start3A_189 : memref<10000x128xf32, #tpu.memory_space<hbm>>) target(%arg14 : memref<80x128xf32, #tpu.memory_space<vmem>>) offsets(%arg12 : memref<80xi32, #tpu.memory_space<vmem>>) semaphore(%arg17 : memref<!tpu.dma_semaphore, #tpu.memory_space<semaphore_mem>>)
      %dma_wait3A_190 = arith.constant 0 : i32
      %dma_wait3A_191 = arith.constant 0 : i32
      %dma_wait3A_192 = tpu.memref_slice %arg2[%dma_wait3A_190, %dma_wait3A_191] : memref<10000x128xf32, #tpu.memory_space<hbm>> -> memref<10000x128xf32, #tpu.memory_space<hbm>>
      tpu.wait_indirect_dma semaphore(%arg16 : memref<!tpu.dma_semaphore, #tpu.memory_space<semaphore_mem>>) src(%dma_wait3A_192 : memref<10000x128xf32, #tpu.memory_space<hbm>>) dst(%arg11 : memref<80x128xf32, #tpu.memory_space<vmem>>)
      "tpu.region"() ({
        %run_scoped3A = tpu.sem_alloc : memref<!tpu.dma_semaphore, #tpu.memory_space<semaphore_mem>>
        %dma_start3A_204 = arith.constant 0 : i32
        %dma_start3A_205 = arith.constant 0 : i32
        %dma_start3A_206 = tpu.memref_slice %arg15[%dma_start3A_204, %dma_start3A_205] : memref<10000x128xf32, #tpu.memory_space<vmem_shared>> -> memref<10000x128xf32, #tpu.memory_space<vmem_shared>>
        tpu.enqueue_indirect_dma source(%arg11 : memref<80x128xf32, #tpu.memory_space<vmem>>) target(%dma_start3A_206 : memref<10000x128xf32, #tpu.memory_space<vmem_shared>>) offsets(%arg10 : memref<80xi32, #tpu.memory_space<vmem>>) semaphore(%run_scoped3A : memref<!tpu.dma_semaphore, #tpu.memory_space<semaphore_mem>>) {add = true}
        %dma_wait3A_207 = arith.constant 0 : i32
        %dma_wait3A_208 = arith.constant 0 : i32
        %dma_wait3A_209 = tpu.memref_slice %arg15[%dma_wait3A_207, %dma_wait3A_208] : memref<10000x128xf32, #tpu.memory_space<vmem_shared>> -> memref<10000x128xf32, #tpu.memory_space<vmem_shared>>
        tpu.wait_indirect_dma semaphore(%run_scoped3A : memref<!tpu.dma_semaphore, #tpu.memory_space<semaphore_mem>>) src(%arg11 : memref<80x128xf32, #tpu.memory_space<vmem>>) dst(%dma_wait3A_209 : memref<10000x128xf32, #tpu.memory_space<vmem_shared>>)
        tpu.yield
      }) : () -> ()
      %mul3A_193 = arith.constant 2 : i32
      %mul3A_194 = arith.muli %mul3A_193, %scan3A_90 : i32
      %add3A_195 = arith.constant 2 : i32
      %add3A_196 = arith.addi %mul3A_194, %add3A_195 : i32
      %lt3A = arith.constant 125 : i32
      %lt3A_197 = arith.cmpi slt, %add3A_196, %lt3A : i32
      %convert_element_type3A_198 = arith.extui %lt3A_197 : i1 to i32
      %cond3A_199 = arith.constant 0 : i32
      %cond3A_200 = arith.cmpi ne, %convert_element_type3A_198, %cond3A_199 : i32
      scf.if %cond3A_200 {
        %mul3A_204 = arith.constant 2 : i32
        %mul3A_205 = arith.muli %mul3A_204, %scan3A_90 : i32
        %add3A_206 = arith.constant 2 : i32
        %add3A_207 = arith.addi %mul3A_205, %add3A_206 : i32
        %mul3A_208 = arith.constant 80 : i32
        %mul3A_209 = arith.muli %add3A_207, %mul3A_208 : i32
        %add3A_210 = arith.constant 0 : i32
        %add3A_211 = arith.addi %mul3A_209, %add3A_210 : i32
        %get3A_212 = arith.index_cast %add3A_211 : i32 to index
        %get3A_213 = tpu.vector_load %arg7[%get3A_212] {strides = array<i32>} : memref<10000xi32, #tpu.memory_space<vmem>>, vector<16xi32>,
        %get3A_214 = vector.shape_cast %get3A_213 : vector<16xi32> to vector<16xi32>
        %swap3A_215 = arith.constant 0 : index
        %swap3A_216 = tpu.vector_load %arg9[%swap3A_215] {strides = array<i32>} : memref<80xi32, #tpu.memory_space<vmem>>, vector<16xi32>,
        %swap3A_217 = vector.shape_cast %swap3A_216 : vector<16xi32> to vector<16xi32>
        %swap3A_218 = vector.shape_cast %get3A_214 : vector<16xi32> to vector<16xi32>
        tpu.vector_store %arg9[%swap3A_215], %swap3A_218 {strides = array<i32>} : memref<80xi32, #tpu.memory_space<vmem>>, vector<16xi32>,
        %add3A_219 = arith.constant 0 : i32
        %add3A_220 = arith.addi %mul3A_209, %add3A_219 : i32
        %get3A_221 = arith.index_cast %add3A_220 : i32 to index
        %get3A_222 = tpu.vector_load %arg8[%get3A_221] {strides = array<i32>} : memref<10000xi32, #tpu.memory_space<vmem>>, vector<16xi32>,
        %get3A_223 = vector.shape_cast %get3A_222 : vector<16xi32> to vector<16xi32>
        %swap3A_224 = arith.constant 0 : index
        %swap3A_225 = tpu.vector_load %arg10[%swap3A_224] {strides = array<i32>} : memref<80xi32, #tpu.memory_space<vmem>>, vector<16xi32>,
        %swap3A_226 = vector.shape_cast %swap3A_225 : vector<16xi32> to vector<16xi32>
        %swap3A_227 = vector.shape_cast %get3A_223 : vector<16xi32> to vector<16xi32>
        tpu.vector_store %arg10[%swap3A_224], %swap3A_227 {strides = array<i32>} : memref<80xi32, #tpu.memory_space<vmem>>, vector<16xi32>,
        %add3A_228 = arith.constant 16 : i32
        %add3A_229 = arith.addi %mul3A_209, %add3A_228 : i32
        %get3A_230 = arith.index_cast %add3A_229 : i32 to index
        %get3A_231 = tpu.vector_load %arg7[%get3A_230] {strides = array<i32>} : memref<10000xi32, #tpu.memory_space<vmem>>, vector<16xi32>,
        %get3A_232 = vector.shape_cast %get3A_231 : vector<16xi32> to vector<16xi32>
        %swap3A_233 = arith.constant 16 : index
        %swap3A_234 = tpu.vector_load %arg9[%swap3A_233] {strides = array<i32>} : memref<80xi32, #tpu.memory_space<vmem>>, vector<16xi32>,
        %swap3A_235 = vector.shape_cast %swap3A_234 : vector<16xi32> to vector<16xi32>
        %swap3A_236 = vector.shape_cast %get3A_232 : vector<16xi32> to vector<16xi32>
        tpu.vector_store %arg9[%swap3A_233], %swap3A_236 {strides = array<i32>} : memref<80xi32, #tpu.memory_space<vmem>>, vector<16xi32>,
        %add3A_237 = arith.constant 16 : i32
        %add3A_238 = arith.addi %mul3A_209, %add3A_237 : i32
        %get3A_239 = arith.index_cast %add3A_238 : i32 to index
        %get3A_240 = tpu.vector_load %arg8[%get3A_239] {strides = array<i32>} : memref<10000xi32, #tpu.memory_space<vmem>>, vector<16xi32>,
        %get3A_241 = vector.shape_cast %get3A_240 : vector<16xi32> to vector<16xi32>
        %swap3A_242 = arith.constant 16 : index
        %swap3A_243 = tpu.vector_load %arg10[%swap3A_242] {strides = array<i32>} : memref<80xi32, #tpu.memory_space<vmem>>, vector<16xi32>,
        %swap3A_244 = vector.shape_cast %swap3A_243 : vector<16xi32> to vector<16xi32>
        %swap3A_245 = vector.shape_cast %get3A_241 : vector<16xi32> to vector<16xi32>
        tpu.vector_store %arg10[%swap3A_242], %swap3A_245 {strides = array<i32>} : memref<80xi32, #tpu.memory_space<vmem>>, vector<16xi32>,
        %add3A_246 = arith.constant 32 : i32
        %add3A_247 = arith.addi %mul3A_209, %add3A_246 : i32
        %get3A_248 = arith.index_cast %add3A_247 : i32 to index
        %get3A_249 = tpu.vector_load %arg7[%get3A_248] {strides = array<i32>} : memref<10000xi32, #tpu.memory_space<vmem>>, vector<16xi32>,
        %get3A_250 = vector.shape_cast %get3A_249 : vector<16xi32> to vector<16xi32>
        %swap3A_251 = arith.constant 32 : index
        %swap3A_252 = tpu.vector_load %arg9[%swap3A_251] {strides = array<i32>} : memref<80xi32, #tpu.memory_space<vmem>>, vector<16xi32>,
        %swap3A_253 = vector.shape_cast %swap3A_252 : vector<16xi32> to vector<16xi32>
        %swap3A_254 = vector.shape_cast %get3A_250 : vector<16xi32> to vector<16xi32>
        tpu.vector_store %arg9[%swap3A_251], %swap3A_254 {strides = array<i32>} : memref<80xi32, #tpu.memory_space<vmem>>, vector<16xi32>,
        %add3A_255 = arith.constant 32 : i32
        %add3A_256 = arith.addi %mul3A_209, %add3A_255 : i32
        %get3A_257 = arith.index_cast %add3A_256 : i32 to index
        %get3A_258 = tpu.vector_load %arg8[%get3A_257] {strides = array<i32>} : memref<10000xi32, #tpu.memory_space<vmem>>, vector<16xi32>,
        %get3A_259 = vector.shape_cast %get3A_258 : vector<16xi32> to vector<16xi32>
        %swap3A_260 = arith.constant 32 : index
        %swap3A_261 = tpu.vector_load %arg10[%swap3A_260] {strides = array<i32>} : memref<80xi32, #tpu.memory_space<vmem>>, vector<16xi32>,
        %swap3A_262 = vector.shape_cast %swap3A_261 : vector<16xi32> to vector<16xi32>
        %swap3A_263 = vector.shape_cast %get3A_259 : vector<16xi32> to vector<16xi32>
        tpu.vector_store %arg10[%swap3A_260], %swap3A_263 {strides = array<i32>} : memref<80xi32, #tpu.memory_space<vmem>>, vector<16xi32>,
        %add3A_264 = arith.constant 48 : i32
        %add3A_265 = arith.addi %mul3A_209, %add3A_264 : i32
        %get3A_266 = arith.index_cast %add3A_265 : i32 to index
        %get3A_267 = tpu.vector_load %arg7[%get3A_266] {strides = array<i32>} : memref<10000xi32, #tpu.memory_space<vmem>>, vector<16xi32>,
        %get3A_268 = vector.shape_cast %get3A_267 : vector<16xi32> to vector<16xi32>
        %swap3A_269 = arith.constant 48 : index
        %swap3A_270 = tpu.vector_load %arg9[%swap3A_269] {strides = array<i32>} : memref<80xi32, #tpu.memory_space<vmem>>, vector<16xi32>,
        %swap3A_271 = vector.shape_cast %swap3A_270 : vector<16xi32> to vector<16xi32>
        %swap3A_272 = vector.shape_cast %get3A_268 : vector<16xi32> to vector<16xi32>
        tpu.vector_store %arg9[%swap3A_269], %swap3A_272 {strides = array<i32>} : memref<80xi32, #tpu.memory_space<vmem>>, vector<16xi32>,
        %add3A_273 = arith.constant 48 : i32
        %add3A_274 = arith.addi %mul3A_209, %add3A_273 : i32
        %get3A_275 = arith.index_cast %add3A_274 : i32 to index
        %get3A_276 = tpu.vector_load %arg8[%get3A_275] {strides = array<i32>} : memref<10000xi32, #tpu.memory_space<vmem>>, vector<16xi32>,
        %get3A_277 = vector.shape_cast %get3A_276 : vector<16xi32> to vector<16xi32>
        %swap3A_278 = arith.constant 48 : index
        %swap3A_279 = tpu.vector_load %arg10[%swap3A_278] {strides = array<i32>} : memref<80xi32, #tpu.memory_space<vmem>>, vector<16xi32>,
        %swap3A_280 = vector.shape_cast %swap3A_279 : vector<16xi32> to vector<16xi32>
        %swap3A_281 = vector.shape_cast %get3A_277 : vector<16xi32> to vector<16xi32>
        tpu.vector_store %arg10[%swap3A_278], %swap3A_281 {strides = array<i32>} : memref<80xi32, #tpu.memory_space<vmem>>, vector<16xi32>,
        %add3A_282 = arith.constant 64 : i32
        %add3A_283 = arith.addi %mul3A_209, %add3A_282 : i32
        %get3A_284 = arith.index_cast %add3A_283 : i32 to index
        %get3A_285 = tpu.vector_load %arg7[%get3A_284] {strides = array<i32>} : memref<10000xi32, #tpu.memory_space<vmem>>, vector<16xi32>,
        %get3A_286 = vector.shape_cast %get3A_285 : vector<16xi32> to vector<16xi32>
        %swap3A_287 = arith.constant 64 : index
        %swap3A_288 = tpu.vector_load %arg9[%swap3A_287] {strides = array<i32>} : memref<80xi32, #tpu.memory_space<vmem>>, vector<16xi32>,
        %swap3A_289 = vector.shape_cast %swap3A_288 : vector<16xi32> to vector<16xi32>
        %swap3A_290 = vector.shape_cast %get3A_286 : vector<16xi32> to vector<16xi32>
        tpu.vector_store %arg9[%swap3A_287], %swap3A_290 {strides = array<i32>} : memref<80xi32, #tpu.memory_space<vmem>>, vector<16xi32>,
        %add3A_291 = arith.constant 64 : i32
        %add3A_292 = arith.addi %mul3A_209, %add3A_291 : i32
        %get3A_293 = arith.index_cast %add3A_292 : i32 to index
        %get3A_294 = tpu.vector_load %arg8[%get3A_293] {strides = array<i32>} : memref<10000xi32, #tpu.memory_space<vmem>>, vector<16xi32>,
        %get3A_295 = vector.shape_cast %get3A_294 : vector<16xi32> to vector<16xi32>
        %swap3A_296 = arith.constant 64 : index
        %swap3A_297 = tpu.vector_load %arg10[%swap3A_296] {strides = array<i32>} : memref<80xi32, #tpu.memory_space<vmem>>, vector<16xi32>,
        %swap3A_298 = vector.shape_cast %swap3A_297 : vector<16xi32> to vector<16xi32>
        %swap3A_299 = vector.shape_cast %get3A_295 : vector<16xi32> to vector<16xi32>
        tpu.vector_store %arg10[%swap3A_296], %swap3A_299 {strides = array<i32>} : memref<80xi32, #tpu.memory_space<vmem>>, vector<16xi32>,
        %dma_start3A_300 = arith.constant 0 : i32
        %dma_start3A_301 = arith.constant 0 : i32
        %dma_start3A_302 = tpu.memref_slice %arg2[%dma_start3A_300, %dma_start3A_301] : memref<10000x128xf32, #tpu.memory_space<hbm>> -> memref<10000x128xf32, #tpu.memory_space<hbm>>
        tpu.enqueue_indirect_dma source(%dma_start3A_302 : memref<10000x128xf32, #tpu.memory_space<hbm>>) target(%arg11 : memref<80x128xf32, #tpu.memory_space<vmem>>) offsets(%arg9 : memref<80xi32, #tpu.memory_space<vmem>>) semaphore(%arg16 : memref<!tpu.dma_semaphore, #tpu.memory_space<semaphore_mem>>)
      } else {
      }
      %dma_wait3A_201 = arith.constant 0 : i32
      %dma_wait3A_202 = arith.constant 0 : i32
      %dma_wait3A_203 = tpu.memref_slice %arg2[%dma_wait3A_201, %dma_wait3A_202] : memref<10000x128xf32, #tpu.memory_space<hbm>> -> memref<10000x128xf32, #tpu.memory_space<hbm>>
      tpu.wait_indirect_dma semaphore(%arg17 : memref<!tpu.dma_semaphore, #tpu.memory_space<semaphore_mem>>) src(%dma_wait3A_203 : memref<10000x128xf32, #tpu.memory_space<hbm>>) dst(%arg14 : memref<80x128xf32, #tpu.memory_space<vmem>>)
      "tpu.region"() ({
        %run_scoped3A = tpu.sem_alloc : memref<!tpu.dma_semaphore, #tpu.memory_space<semaphore_mem>>
        %dma_start3A_204 = arith.constant 0 : i32
        %dma_start3A_205 = arith.constant 0 : i32
        %dma_start3A_206 = tpu.memref_slice %arg15[%dma_start3A_204, %dma_start3A_205] : memref<10000x128xf32, #tpu.memory_space<vmem_shared>> -> memref<10000x128xf32, #tpu.memory_space<vmem_shared>>
        tpu.enqueue_indirect_dma source(%arg14 : memref<80x128xf32, #tpu.memory_space<vmem>>) target(%dma_start3A_206 : memref<10000x128xf32, #tpu.memory_space<vmem_shared>>) offsets(%arg13 : memref<80xi32, #tpu.memory_space<vmem>>) semaphore(%run_scoped3A : memref<!tpu.dma_semaphore, #tpu.memory_space<semaphore_mem>>) {add = true}
        %dma_wait3A_207 = arith.constant 0 : i32
        %dma_wait3A_208 = arith.constant 0 : i32
        %dma_wait3A_209 = tpu.memref_slice %arg15[%dma_wait3A_207, %dma_wait3A_208] : memref<10000x128xf32, #tpu.memory_space<vmem_shared>> -> memref<10000x128xf32, #tpu.memory_space<vmem_shared>>
        tpu.wait_indirect_dma semaphore(%run_scoped3A : memref<!tpu.dma_semaphore, #tpu.memory_space<semaphore_mem>>) src(%arg14 : memref<80x128xf32, #tpu.memory_space<vmem>>) dst(%dma_wait3A_209 : memref<10000x128xf32, #tpu.memory_space<vmem_shared>>)
        tpu.yield
      }) : () -> ()
    }
    %scan3A_81 = arith.constant 62 : i32
    %dma_wait3A = arith.constant 0 : i32
    %dma_wait3A_82 = arith.constant 0 : i32
    %dma_wait3A_83 = tpu.memref_slice %arg2[%dma_wait3A, %dma_wait3A_82] : memref<10000x128xf32, #tpu.memory_space<hbm>> -> memref<10000x128xf32, #tpu.memory_space<hbm>>
    tpu.wait_indirect_dma semaphore(%arg16 : memref<!tpu.dma_semaphore, #tpu.memory_space<semaphore_mem>>) src(%dma_wait3A_83 : memref<10000x128xf32, #tpu.memory_space<hbm>>) dst(%arg11 : memref<80x128xf32, #tpu.memory_space<vmem>>)
    "tpu.region"() ({
      %run_scoped3A = tpu.sem_alloc : memref<!tpu.dma_semaphore, #tpu.memory_space<semaphore_mem>>
      %dma_start3A_90 = arith.constant 0 : i32
      %dma_start3A_91 = arith.constant 0 : i32
      %dma_start3A_92 = tpu.memref_slice %arg15[%dma_start3A_90, %dma_start3A_91] : memref<10000x128xf32, #tpu.memory_space<vmem_shared>> -> memref<10000x128xf32, #tpu.memory_space<vmem_shared>>
      tpu.enqueue_indirect_dma source(%arg11 : memref<80x128xf32, #tpu.memory_space<vmem>>) target(%dma_start3A_92 : memref<10000x128xf32, #tpu.memory_space<vmem_shared>>) offsets(%arg10 : memref<80xi32, #tpu.memory_space<vmem>>) semaphore(%run_scoped3A : memref<!tpu.dma_semaphore, #tpu.memory_space<semaphore_mem>>) {add = true}
      %dma_wait3A_93 = arith.constant 0 : i32
      %dma_wait3A_94 = arith.constant 0 : i32
      %dma_wait3A_95 = tpu.memref_slice %arg15[%dma_wait3A_93, %dma_wait3A_94] : memref<10000x128xf32, #tpu.memory_space<vmem_shared>> -> memref<10000x128xf32, #tpu.memory_space<vmem_shared>>
      tpu.wait_indirect_dma semaphore(%run_scoped3A : memref<!tpu.dma_semaphore, #tpu.memory_space<semaphore_mem>>) src(%arg11 : memref<80x128xf32, #tpu.memory_space<vmem>>) dst(%dma_wait3A_95 : memref<10000x128xf32, #tpu.memory_space<vmem_shared>>)
      tpu.yield
    }) : () -> ()
    %barrier3A_84 = arith.constant 0 : index
    tpu.barrier barrier_id(%barrier3A_84)
    "tpu.region"() ({
      %run_scoped3A = tpu.sem_alloc : memref<!tpu.dma_semaphore, #tpu.memory_space<semaphore_mem>>
      %dma_start3A_90 = arith.constant 0 : i32
      %dma_start3A_91 = tpu.memref_slice %arg6[%arg0, %mul3A_4, %dma_start3A_90] : memref<2x10000x128xf32, #tpu.memory_space<hbm>> -> memref<1x624x128xf32, #tpu.memory_space<hbm>>
      %dma_start3A_92 = tpu.memref_squeeze %dma_start3A_91 : memref<1x624x128xf32, #tpu.memory_space<hbm>> -> memref<624x128xf32, #tpu.memory_space<hbm>>
      %dma_start3A_93 = arith.constant 0 : i32
      %dma_start3A_94 = tpu.memref_slice %arg15[%mul3A_4, %dma_start3A_93] : memref<10000x128xf32, #tpu.memory_space<vmem_shared>> -> memref<624x128xf32, #tpu.memory_space<vmem_shared>>
      tpu.enqueue_dma source(%dma_start3A_94 : memref<624x128xf32, #tpu.memory_space<vmem_shared>>) target(%dma_start3A_92 : memref<624x128xf32, #tpu.memory_space<hbm>>) target_semaphore(%run_scoped3A : memref<!tpu.dma_semaphore, #tpu.memory_space<semaphore_mem>>)
      %dma_wait3A_95 = arith.constant 0 : i32
      %dma_wait3A_96 = tpu.memref_slice %arg6[%arg0, %mul3A_4, %dma_wait3A_95] : memref<2x10000x128xf32, #tpu.memory_space<hbm>> -> memref<1x624x128xf32, #tpu.memory_space<hbm>>
      %dma_wait3A_97 = tpu.memref_squeeze %dma_wait3A_96 : memref<1x624x128xf32, #tpu.memory_space<hbm>> -> memref<624x128xf32, #tpu.memory_space<hbm>>
      %dma_wait3A_98 = arith.constant 0 : i32
      %dma_wait3A_99 = tpu.memref_slice %arg15[%mul3A_4, %dma_wait3A_98] : memref<10000x128xf32, #tpu.memory_space<vmem_shared>> -> memref<624x128xf32, #tpu.memory_space<vmem_shared>>
      tpu.wait_dma2 semaphore(%run_scoped3A : memref<!tpu.dma_semaphore, #tpu.memory_space<semaphore_mem>>) src(%dma_wait3A_99 : memref<624x128xf32, #tpu.memory_space<vmem_shared>>) dst(%dma_wait3A_97 : memref<624x128xf32, #tpu.memory_space<hbm>>)
      tpu.yield
    }) : () -> ()
    %eq3A_85 = arith.constant 0 : i32
    %eq3A_86 = arith.cmpi eq, %arg1, %eq3A_85 : i32
    %convert_element_type3A_87 = arith.extui %eq3A_86 : i1 to i32
    %cond3A_88 = arith.constant 0 : i32
    %cond3A_89 = arith.cmpi ne, %convert_element_type3A_87, %cond3A_88 : i32
    scf.if %cond3A_89 {
      "tpu.region"() ({
        %run_scoped3A = tpu.sem_alloc : memref<!tpu.dma_semaphore, #tpu.memory_space<semaphore_mem>>
        %dma_start3A_90 = arith.constant 9984 : i32
        %dma_start3A_91 = arith.constant 0 : i32
        %dma_start3A_92 = tpu.memref_slice %arg6[%arg0, %dma_start3A_90, %dma_start3A_91] : memref<2x10000x128xf32, #tpu.memory_space<hbm>> -> memref<1x16x128xf32, #tpu.memory_space<hbm>>
        %dma_start3A_93 = tpu.memref_squeeze %dma_start3A_92 : memref<1x16x128xf32, #tpu.memory_space<hbm>> -> memref<16x128xf32, #tpu.memory_space<hbm>>
        %dma_start3A_94 = arith.constant 9984 : i32
        %dma_start3A_95 = arith.constant 0 : i32
        %dma_start3A_96 = tpu.memref_slice %arg15[%dma_start3A_94, %dma_start3A_95] : memref<10000x128xf32, #tpu.memory_space<vmem_shared>> -> memref<16x128xf32, #tpu.memory_space<vmem_shared>>
        tpu.enqueue_dma source(%dma_start3A_96 : memref<16x128xf32, #tpu.memory_space<vmem_shared>>) target(%dma_start3A_93 : memref<16x128xf32, #tpu.memory_space<hbm>>) target_semaphore(%run_scoped3A : memref<!tpu.dma_semaphore, #tpu.memory_space<semaphore_mem>>)
        %dma_wait3A_97 = arith.constant 9984 : i32
        %dma_wait3A_98 = arith.constant 0 : i32
        %dma_wait3A_99 = tpu.memref_slice %arg6[%arg0, %dma_wait3A_97, %dma_wait3A_98] : memref<2x10000x128xf32, #tpu.memory_space<hbm>> -> memref<1x16x128xf32, #tpu.memory_space<hbm>>
        %dma_wait3A_100 = tpu.memref_squeeze %dma_wait3A_99 : memref<1x16x128xf32, #tpu.memory_space<hbm>> -> memref<16x128xf32, #tpu.memory_space<hbm>>
        %dma_wait3A_101 = arith.constant 9984 : i32
        %dma_wait3A_102 = arith.constant 0 : i32
        %dma_wait3A_103 = tpu.memref_slice %arg15[%dma_wait3A_101, %dma_wait3A_102] : memref<10000x128xf32, #tpu.memory_space<vmem_shared>> -> memref<16x128xf32, #tpu.memory_space<vmem_shared>>
        tpu.wait_dma2 semaphore(%run_scoped3A : memref<!tpu.dma_semaphore, #tpu.memory_space<semaphore_mem>>) src(%dma_wait3A_103 : memref<16x128xf32, #tpu.memory_space<vmem_shared>>) dst(%dma_wait3A_100 : memref<16x128xf32, #tpu.memory_space<hbm>>)
        tpu.yield
      }) : () -> ()
    } else {
    }
    return
  }
}

module attributes {stable_mosaic.version = 14 : i64} {
  func.func @mm_body(%arg0: i32, %arg1: memref<2000x128xf32, #tpu.memory_space<vmem>>, %arg2: memref<2000x128xf32, #tpu.memory_space<vmem>>, %arg3: memref<128x128xf32, #tpu.memory_space<vmem>>, %arg4: memref<1x128xf32, #tpu.memory_space<vmem>>, %arg5: memref<2000x128xf32, #tpu.memory_space<vmem>>) attributes {dimension_semantics = [#tpu.dimension_semantics<arbitrary>], iteration_bounds = array<i64: 5>, scalar_prefetch = 0 : i64, scratch_operands = 0 : i64, tpu.core_type = #tpu.core_type<tc>, window_params = [{transform_indices = @transform_0, window_bounds = array<i64: 2000, 128>}, {transform_indices = @transform_1, window_bounds = array<i64: 2000, 128>}, {pipeline_mode = #tpu.pipeline_mode<synchronous>, transform_indices = @transform_2, window_bounds = array<i64: 128, 128>}, {pipeline_mode = #tpu.pipeline_mode<synchronous>, transform_indices = @transform_3, window_bounds = array<i64: 1, 128>}, {transform_indices = @transform_4, window_bounds = array<i64: 2000, 128>}]} {
    %get3A = arith.constant 0 : index
    %get3A_0 = arith.constant 0 : index
    %get3A_1 = vector.load %arg1[%get3A, %get3A_0] : memref<2000x128xf32, #tpu.memory_space<vmem>>, vector<2000x128xf32>
    %get3A_2 = arith.constant 0 : index
    %get3A_3 = arith.constant 0 : index
    %get3A_4 = vector.load %arg2[%get3A_2, %get3A_3] : memref<2000x128xf32, #tpu.memory_space<vmem>>, vector<2000x128xf32>
    %add3A = arith.addf %get3A_1, %get3A_4 : vector<2000x128xf32>
    %get3A_5 = arith.constant 0 : index
    %get3A_6 = arith.constant 0 : index
    %get3A_7 = vector.load %arg3[%get3A_5, %get3A_6] : memref<128x128xf32, #tpu.memory_space<vmem>>, vector<128x128xf32>
    %dot_general3A = arith.constant dense<0.000000e+00> : vector<2000x128xf32>
    %dot_general3A_8 = tpu.matmul %add3A, %get3A_7, %dot_general3A {dimension_numbers = #tpu.dot_dimension_numbers<[1], [0], [0], [1], [0, 0, 1, 1], [], []>, transpose_lhs_hint = false} : vector<2000x128xf32>, vector<128x128xf32>, vector<2000x128xf32> -> vector<2000x128xf32>
    %get3A_9 = arith.constant 0 : index
    %get3A_10 = arith.constant 0 : index
    %get3A_11 = vector.load %arg4[%get3A_9, %get3A_10] : memref<1x128xf32, #tpu.memory_space<vmem>>, vector<1x128xf32>
    %add3A_12 = vector.broadcast %get3A_11 : vector<1x128xf32> to vector<2000x128xf32>
    %add3A_13 = arith.addf %dot_general3A_8, %add3A_12 : vector<2000x128xf32>
    %swap3A = arith.constant 0 : index
    %swap3A_14 = arith.constant 0 : index
    %swap3A_15 = vector.load %arg5[%swap3A, %swap3A_14] : memref<2000x128xf32, #tpu.memory_space<vmem>>, vector<2000x128xf32>
    tpu.vector_store %arg5[%swap3A, %swap3A_14], %add3A_13 {strides = array<i32>} : memref<2000x128xf32, #tpu.memory_space<vmem>>, vector<2000x128xf32>,
    return
  }
  func.func @transform_0(%arg0: i32) -> (i32, i32) {
    %c0_i32 = arith.constant 0 : i32
    %c0_i32_0 = arith.constant 0 : i32
    return %arg0, %c0_i32 : i32, i32
  }
  func.func @transform_1(%arg0: i32) -> (i32, i32) {
    %c0_i32 = arith.constant 0 : i32
    %c0_i32_0 = arith.constant 0 : i32
    return %arg0, %c0_i32 : i32, i32
  }
  func.func @transform_2(%arg0: i32) -> (i32, i32) {
    %c0_i32 = arith.constant 0 : i32
    %c0_i32_0 = arith.constant 0 : i32
    %c0_i32_1 = arith.constant 0 : i32
    return %c0_i32, %c0_i32_0 : i32, i32
  }
  func.func @transform_3(%arg0: i32) -> (i32, i32) {
    %c0_i32 = arith.constant 0 : i32
    %c0_i32_0 = arith.constant 0 : i32
    %c0_i32_1 = arith.constant 0 : i32
    return %c0_i32, %c0_i32_0 : i32, i32
  }
  func.func @transform_4(%arg0: i32) -> (i32, i32) {
    %c0_i32 = arith.constant 0 : i32
    %c0_i32_0 = arith.constant 0 : i32
    return %arg0, %c0_i32 : i32, i32
  }
}

</mosaic_0001>

<sc_bundles>
// kernel: kernel.4.cloned.1.call-start
scs
__scs_entry_jumppad:
0x0: {  	(pc) =	sbr.rel $0x88, $3  }
0x1: {  	(tag) =	ssettag $0x0;
	lr =	simm.s32 $0x1  }
0x2: {  	[smem:$0x3F9D] =	sst lr;
	_ =	strace $0xD0000000  }
0x3: {  	_ = 	snop  }
0x4: {  	_ = 	snop  }
0x5: {  	_ = 	snop  }
0x6: {  	_ = 	snop  }
0x7: {  	_ = 	snop  }
__scs_overlays_trampoline_lowered:
0x8: {  	[smem:$0x3FAC] =	sst s0  }
0x9: {  	[smem:$0x3FAD] =	sst s1  }
0xa: {  	[smem:$0x3FAE] =	sst s2  }
0xb: {  	[smem:$0x3FAF] =	sst s3  }
0xc: {  	[smem:$0x3FB0] =	sst s4  }
0xd: {  	[smem:$0x3FB1] =	sst s5  }
0xe: {  	[smem:$0x3FB2] =	sst s6  }
0xf: {  	[smem:$0x3FB3] =	sst s7  }
0x10: {  	[smem:$0x3FB4] =	sst s8  }
0x11: {  	[smem:$0x3FB5] =	sst s9;
	s0 =	simm.s32 @!p0 $0x0  }
0x12: {  	s1 =	sld [smem:$0x3F9B];
	s0 =	simm.s32 @p0 $0x1  }
0x13: {  	[smem:$0x3FB6] =	sst s0;
	s0 =	simm.s32 @!p1 $0x0  }
0x14: {  	s2 =	sld [smem:$0x3F9A];
	s0 =	simm.s32 @p1 $0x1  }
0x15: {  	[smem:$0x3FB7] =	sst s0;
	s0 =	simm.s32 @!p2 $0x0  }
0x16: {  	s3 =	sld [smem:$0x3FDB];
	s0 =	simm.s32 @p2 $0x1  }
0x17: {  	s4 =	simm.s32 $0x1BF5;
	[smem:$0x3FB9] =	sst s0  }
0x18: {  	s0 =	sld [smem:$0x3F9C];
	_ =	swait.ge [sflag:s4], $0x0  }
0x19: {  	s7 =	sld [smem:$0x3F9D]  }
0x1a: {  	s8 =	sadd.s32 $0xFFFFE003, lr  }
0x1b: {  	s9 =	sadd.s32 $0xFFFFFEF7, lr;
	s5 =	simm.s32 $0xFFFFFFFF;
	p2 =	slt.u32 s8, $0xFFFFF086  }
0x1c: {  	p1 =	slt.u32 s9, $0xF7A;
	s5 =	simm.s32 @!p2 $0x0  }
0x1d: {  	s5 =	simm.s32 @p1 $0x1;
	p0 =	seq.s32 s7, s2  }
0x1e: {  	s7 =	smul.u32 @!p0 $0xF7A, s2;
	p2 =	seq.s32 @!p0 s5, $0x0  }
0x1f: {  	s9 =	smul.u32 $0xF7A, s1;
	s8 =	simm.s32 @!p0 $0x1BF5;
	p2 =	por !p2, p0  }
0x20: {  	[sflag:s8] =	ssyncset.s32 @!p0 $0xFFFFF086;
	s6 =	sadd.s32 @!p0 s3, s7;
	s7 =	simm.s32 @!p0 $0x108  }
0x21: {  	s3 =	sadd.s32 s3, s9;
	s6 =	sadd.s32 @!p0 $0x88, s6;
	s7 =	simm.s32 @p2 $0x1082  }
0x22: {  	[simem:s7], [sflag:s8] =	dma.local @!p0 [hbm:s6], $0xF7A  }
0x23: {  	s9 =	sor.u32 $0xD0000000, s2;
	s6 =	simm.s32 $0x108;
	_ =	swait.ge @!p0 [sflag:s8], $0x0  }
0x24: {  	s3 =	sadd.s32 $0x88, s3;
	s6 =	simm.s32 @!p1 $0x1082;
	[sflag:s4] =	ssyncset.s32 $0xFFFFF086  }
0x25: {  	[simem:s6], [sflag:s4] =	dma.local [hbm:s3], $0xF7A  }
0x26: {  	[smem:$0x3F9D] =	sst s1;
	(tag) =	ssettag s2;
	_ =	strace s9  }
0x27: {  	s1 =	sld [smem:$0x3FAD]  }
0x28: {  	s2 =	sld [smem:$0x3FAE]  }
0x29: {  	s4 =	sld [smem:$0x3FB0]  }
0x2a: {  	p0 =	seq.s32 s5, $0x0;
	s5 =	sld [smem:$0x3FB1]  }
0x2b: {  	s6 =	sld [smem:$0x3FB2]  }
0x2c: {  	s7 =	sld [smem:$0x3FB3]  }
0x2d: {  	s3 =	simm.s32 $0x108;
	s8 =	sld [smem:$0x3FB4]  }
0x2e: {  	s3 =	simm.s32 @!p0 $0x1082;
	s9 =	sld [smem:$0x3FB5]  }
0x2f: {  	lr =	sadd.s32 s0, s3;
	s0 =	sld [smem:$0x3FAC]  }
0x30: {  	s3 =	sld [smem:$0x3FAF]  }
0x31: {  	[smem:$0x3FB8] =	sst s10  }
0x32: {  	s10 =	sld [smem:$0x3FB6];
	_ =	sdelay $0x3  }
0x33: {  	p0 =	seq.s32 s10, $0x1;
	s10 =	sld [smem:$0x3FB8];
	_ =	sdelay $0x3  }
0x34: {  	[smem:$0x3FB8] =	sst s10  }
0x35: {  	s10 =	sld [smem:$0x3FB7];
	_ =	sdelay $0x3  }
0x36: {  	p1 =	seq.s32 s10, $0x1;
	s10 =	sld [smem:$0x3FB8];
	_ =	sdelay $0x3  }
0x37: {  	[smem:$0x3FB8] =	sst s10  }
0x38: {  	s10 =	sld [smem:$0x3FB9]  }
0x39: {  	_ = 	snop;
	(pc) =	sbr.ind lr, $3  }
0x3a: {  	_ = 	snop  }
0x3b: {  	_ = 	snop  }
0x3c: {  	p2 =	seq.s32 s10, $0x1;
	s10 =	sld [smem:$0x3FB8]  }
0x3d: {  	_ =	shalt  }
0x3e: {  	_ =	shalt  }
0x3f: {  	_ =	shalt  }
0x40: {  	_ =	shalt  }
0x41: {  	_ =	shalt  }
0x42: {  	_ =	shalt  }
0x43: {  	_ =	shalt  }
0x44: {  	_ =	shalt  }
0x45: {  	_ =	shalt  }
0x46: {  	_ =	shalt  }
0x47: {  	_ =	shalt  }
0x48: {  	_ =	shalt  }
0x49: {  	_ =	shalt  }
0x4a: {  	_ =	shalt  }
0x4b: {  	_ =	shalt  }
0x4c: {  	_ =	shalt  }
0x4d: {  	_ =	shalt  }
0x4e: {  	_ =	shalt  }
0x4f: {  	_ =	shalt  }
0x50: {  	_ =	shalt  }
0x51: {  	_ =	shalt  }
0x52: {  	_ =	shalt  }
0x53: {  	_ =	shalt  }
0x54: {  	_ =	shalt  }
0x55: {  	_ =	shalt  }
0x56: {  	_ =	shalt  }
0x57: {  	_ =	shalt  }
0x58: {  	_ =	shalt  }
0x59: {  	_ =	shalt  }
0x5a: {  	_ =	shalt  }
0x5b: {  	_ =	shalt  }
0x5c: {  	_ =	shalt  }
0x5d: {  	_ =	shalt  }
0x5e: {  	_ =	shalt  }
0x5f: {  	_ =	shalt  }
0x60: {  	_ =	shalt  }
0x61: {  	_ =	shalt  }
0x62: {  	_ =	shalt  }
0x63: {  	_ =	shalt  }
0x64: {  	_ =	shalt  }
0x65: {  	_ =	shalt  }
0x66: {  	_ =	shalt  }
0x67: {  	_ =	shalt  }
0x68: {  	_ =	shalt  }
0x69: {  	_ =	shalt  }
0x6a: {  	_ =	shalt  }
0x6b: {  	_ =	shalt  }
0x6c: {  	_ =	shalt  }
0x6d: {  	_ =	shalt  }
0x6e: {  	_ =	shalt  }
0x6f: {  	_ =	shalt  }
0x70: {  	_ =	shalt  }
0x71: {  	_ =	shalt  }
0x72: {  	_ =	shalt  }
0x73: {  	_ =	shalt  }
0x74: {  	_ =	shalt  }
0x75: {  	_ =	shalt  }
0x76: {  	_ =	shalt  }
0x77: {  	_ =	shalt  }
0x78: {  	_ =	shalt  }
0x79: {  	_ =	shalt  }
0x7a: {  	_ =	shalt  }
0x7b: {  	_ =	shalt  }
0x7c: {  	_ =	shalt  }
0x7d: {  	_ =	shalt  }
0x7e: {  	_ =	shalt  }
0x7f: {  	_ =	shalt  }
0x80: {  	_ =	shalt  }
0x81: {  	_ =	shalt  }
0x82: {  	_ =	shalt  }
0x83: {  	_ =	shalt  }
0x84: {  	_ =	shalt  }
0x85: {  	_ =	shalt  }
0x86: {  	_ =	shalt  }
0x87: {  	_ =	shalt  }
.Lfunc_end0:
.L_simem_size_0:
called_computation_lowered:
.L_overlay_start_0:
0x88: {  	s2 =	sld [smem:$0x3FD9]  }
0x89: {  	s3 =	sld [smem:$0x3FFE];
	_ =	sdelay $0x1  }
0x8a: {  	s1 =	srdreg.scid  }
0x8b: {  	s0 =	sand.u32 $0x1, s1  }
0x8c: {  	s17 =	sshll.u32 s0, $0xA;
	s2 =	sadd.s32 s3, s2  }
0x8d: {  	s2 =	sadd.s32 s2, s17  }
0x8e: {  	[smem:$0x3FC4] =	sst s2  }
0x8f: {  	_ = 	snop  }
0x90: {  	s2 =	sld [smem:$0x3FC9]  }
0x91: {  	s18 =	sld [smem:$0x3FD0];
	(tm) =	ssettm $0x1  }
0x92: {  	s4 =	sld [smem:$0x3FFB];
	_ =	sdelay $0x3  }
0x93: {  	_ =	strace s4  }
0x94: {  	s4 =	sld [smem:$0x3FFC];
	_ =	sdelay $0x3  }
0x95: {  	_ =	strace s4  }
0x96: {  	s4 =	sld [smem:$0x3FFD];
	_ =	sdelay $0x3  }
0x97: {  	_ =	strace s4  }
0x98: {  	_ =	strace $0x8FFFFFFF  }
0x99: {  	s19 =	sld [smem:$0x3FDB];
	_ =	sdelay $0x1  }
0x9a: {  	s5 =	simm.s32 $_scs_section_size  }
0x9b: {  	s6 =	simm.s32 $_size__tile_overlayer_lowered;
	s7 =	simm.s32 $_tile_overlayer_lowered  }
0x9c: {  	s22 =	simm.s32 $0x1BFF;
	s21 =	sshll.u32 s7, $0x1;
	s4 =	sadd.s32 s5, s19  }
0x9d: {  	s8 =	simm.s32 $0x0;
	s20 =	sshll.u32 s6, $0x1;
	s6 =	sadd.s32 s21, s4  }
0x9e: {  	[timem:s8], [sflag:s22] =	dma.local [hbm:s6], s20  }
0x9f: {  	_ =	swait.ge [sflag:s22], s20  }
0xa0: {  	s5 =	ssub.s32 $0x0, s20;
	[sflag:s22] =	ssyncset.done $0x0  }
0xa1: {  	[sflag:s22] =	ssyncadd.s32 s5;
	_ =	sdelay $0x1  }
0xa2: {  	s23 =	simm.s32 $0x1B8B  }
0xa3: {  	_ =	swait.ge [sflag:s23], $0x1  }
0xa4: {  	[sflag:s23] =	ssyncset.done $0x0  }
0xa5: {  	s25 =	simm.s32 $0x1B8E;
	s24 =	sld [smem:$0x3FFE];
	[sflag:s23] =	ssyncadd.s32 $0xFFFFFFFF  }
0xa6: {  	s26 =	simm.s32 $execute0_lowered;
	[smem:$0x3FD2] =	sst s25  }
0xa7: {  	s6 =	sshll.u32 s26, $0x1;
	_ =	strace $0x80000046;
	[dreg:$0x1] =	wrdreg $0xFFFFFFFF  }
0xa8: {  	s28 =	simm.s32 $_size_execute0_lowered;
	s4 =	sadd.s32 s4, s6;
	[dreg:$0x0] =	wrdreg $0x0  }
0xa9: {  	s6 =	sshll.u32 s28, $0x1;
	[dreg:$0x2] =	wrdreg s4  }
0xaa: {  	[dreg:$0x3] =	wrdreg s6  }
0xab: {  	[dreg:$0x4] =	wrdreg $0xC0  }
0xac: {  	_ =	task [dreg:s8], $0x5FFFF  }
0xad: {  	[dreg:$0x1] =	wrdreg $0xFFFFFFFF  }
0xae: {  	[dreg:$0x0] =	wrdreg $0x60  }
0xaf: {  	[dreg:$0x2] =	wrdreg s2  }
0xb0: {  	[dreg:$0x3] =	wrdreg s24  }
0xb1: {  	[dreg:$0x4] =	wrdreg s18  }
0xb2: {  	[dreg:$0x5] =	wrdreg $0xA1000  }
0xb3: {  	[dreg:$0x6] =	wrdreg $0x9  }
0xb4: {  	_ =	task.clear_ibuf [dreg:s8], $0x7FFFF;
	_ =	strace $0x90000046  }
0xb5: {  	s29 =	simm.s32 $0x9;
	_ =	strace $0x80000048  }
0xb6: {  	_ =	swait.ge [sflag:s29], $0x1  }
0xb7: {  	[sflag:s29] =	ssyncadd.s32 $0xFFFFFFFF  }
0xb8: {  	_ =	strace $0x90000048  }
0xb9: {  	_ =	sfence  }
0xba: {  	s30 =	sld [smem:$0x0];
	_ =	sdelay $0x2  }
0xbb: {  	s31 =	sshll.u32 s1, $0xD;
	s1 =	sshrl.u32 s1, $0x2  }
0xbc: {  	s3 =	sand.u32 $0x4000, s31;
	s1 =	sadd.s32 s1, s30  }
0xbd: {  	s0 =	sor.u32 s3, s0;
	s1 =	sshll.u32 s1, $0x11  }
0xbe: {  	s0 =	sor.u32 s1, s0  }
0xbf: {  	s0 =	sadd.s32 $0x8F2B, s0  }
0xc0: {  	[sflag:s0] =	ssyncadd.remote.s32 $0x1  }
0xc1: {  	_ =	sfence.sel $0xFFFF  }
0xc2: {  	[dreg:$0x0] =	wrdreg $0xFFFFFFFF;
	(pc) =	sbr.abs _section_cstart, $3  }
0xc3: {  	[dreg:$0x1] =	wrdreg $0xFFFFFFFF  }
0xc4: {  	_ =	task.clear_ibuf [dreg:s8], $0x2FFFF;
	_ =	strace $0x9FFFFFFF  }
0xc5: {  	(tm) =	ssettm $0x7FFFFFFF  }
tec
execute0_lowered:
.L_overlay_start_1:
0x0: {  	(tag) =	ssettag $0x1  }
0x1: {  	s0 =	rddreg [dreg:$0x0]  }
0x2: {  	s5 =	rddreg [dreg:$0x1]  }
0x3: {  	s1 =	srdreg.scid;
	s7 =	rddreg [dreg:$0x2]  }
0x4: {  	s11 =	stileid.u32;
	s2 =	rddreg [dreg:$0x3];
	s3 =	simm.s32 $0x0  }
0x5: {  	s17 =	simm.s32 $0x5000;
	s18 =	simm.s32 $0x7800;
	s19 =	simm.s32 $0x7900  }
0x6: {  	s20 =	simm.s32 $0x1;
	s21 =	simm.s32 $0x4F80;
	s22 =	simm.s32 $0x2  }
0x7: {  	s6 =	sand.u32 $0x1, s1;
	s23 =	sshll.u32 s11, $0x1;
	s1 =	rddreg [dreg:$0x4]  }
0x8: {  	[smem:$0x7FF] =	sst s3;
	s13 =	smul.u32 $0x4E000, s11;
	s14 =	sadd.s32 $0xC800, s5  }
0x9: {  	s26 =	sshll.u32 s11, $0x6;
	s28 =	smul.u32 $0x13800, s11;
	s16 =	sadd.s32 $0x138000, s2  }
0xa: {  	p0 =	sne.s32 s11, $0x0;
	s4 =	sor.u32 s6, s23;
	_ =	strace $0x80000047  }
0xb: {  	s10 =	ssub.s32 $0x2, s6;
	s24 =	smul.u32 $0x138800, s6;
	s23 =	simm.s32 $0x7880  }
0xc: {  	s8 =	smul.u32 $0x4E2, s4;
	s4 =	sadd.s32 $0xA000, s5;
	s12 =	sshrl.u32 s10, $0x1  }
0xd: {  	s25 =	sshrl.u32 s13, $0x2;
	s13 =	sshrl.u32 @!p0 s16, $0x3;
	s16 =	simm.s32 $0x4F00  }
0xe: {  	s10 =	ssub.s32 s10, s12;
	s15 =	sadd.s32 s25, s2;
	s29 =	sadd.s32 s28, s24  }
0xf: {  	s12 =	sshrl.u32 s24, $0x3;
	s24 =	simm.s32 $0x0;
	s9 =	sadd.s32 s8, s5  }
0x10: {  	s5 =	sor.u32 $0x1C03, s26;
	s7 =	sadd.s32 s7, s8;
	s30 =	sshrl.u32 s29, $0x3  }
0x11: {  	s31 =	sadd.s32 s14, s12;
	s10 =	smax.u32 s10, $0x1;
	s11 =	sshrl.u32 s15, $0x3  }
0x12: {  	s12 =	simm.s32 $0x3;
	s15 =	simm.s32 $0x50;
	s6 =	sadd.s32 $0x200, s9  }
0x13: {  	s8 =	sadd.s32 s14, s30;
	s9 =	sadd.s32 $0x27000, s31;
	s14 =	simm.s32 $0x2780  }
.LBB2_1:
0x14: {  	[spmem:s11], [sflag:s5] =	dma.local [hbm:s4], $0x2700  }
0x15: {  	_ =	swait.ge [sflag:s12], $0x2700  }
0x16: {  	[sflag:s12] =	ssyncset.done $0x0  }
0x17: {  	s25 =	simm.s32 @!p0 $0x3;
	[sflag:s12] =	ssyncadd.s32 $0xFFFFD900  }
0x18: {  	[spmem:s13], [sflag:s5] =	dma.local @!p0 [hbm:s4], $0x100  }
0x19: {  	_ =	swait.ge @!p0 [sflag:s25], $0x100  }
0x1a: {  	[sflag:s25] =	ssyncset.done @!p0 $0x0  }
0x1b: {  	[sflag:s25] =	ssyncadd.s32 @!p0 $0xFFFFFF00  }
0x1c: {  	[tilespmem:s3], [sflag:$0x3] =	stream.linear.gather [hbm4b:s6+s3], $0x2710, $0x38;
	[tilespmem:$0x1D980] =	vst v63  }
0x1d: {  	_ =	swait.ge [sflag:s12], $0x2710  }
0x1e: {  	[sflag:s12] =	ssyncset.done $0x0  }
0x1f: {  	[sflag:s12] =	ssyncadd.s32 $0xFFFFD8F0  }
0x20: {  	[tilespmem:s14], [sflag:$0x3] =	stream.linear.gather [hbm4b:s7+s3], $0x2710, $0x38;
	[tilespmem:$0x1D980] =	vst v63  }
0x21: {  	_ =	swait.ge [sflag:s12], $0x2710  }
0x22: {  	[sflag:s12] =	ssyncset.done $0x0  }
0x23: {  	[sflag:s12] =	ssyncadd.s32 $0xFFFFD8F0  }
0x24: {  	[bflag:$0x0] =	sbarrier.arrive $0xFFFF  }
0x25: {  	v0 =	vld [tilespmem:$0x0]  }
0x26: {  	v1 =	vld [tilespmem:$0x2780]  }
0x27: {  	v2 =	vld [tilespmem:$0x10]  }
0x28: {  	v3 =	vld [tilespmem:$0x2790]  }
0x29: {  	v4 =	vld [tilespmem:$0x20]  }
0x2a: {  	v58 =	vld [tilespmem:$0x27A0];
	[tilespmem:$0x4F00] =	vst v0  }
0x2b: {  	v59 =	vld [tilespmem:$0x30];
	[tilespmem:$0x4F80] =	vst v1  }
0x2c: {  	v60 =	vld [tilespmem:$0x27B0];
	[tilespmem:$0x4F10] =	vst v2  }
0x2d: {  	v61 =	vld [tilespmem:$0x40];
	[tilespmem:$0x4F90] =	vst v3  }
0x2e: {  	v62 =	vld [tilespmem:$0x27C0];
	[tilespmem:$0x4F20] =	vst v4  }
0x2f: {  	[tilespmem:$0x4FA0] =	vst v58  }
0x30: {  	[tilespmem:$0x4F30] =	vst v59  }
0x31: {  	[tilespmem:$0x4FB0] =	vst v60  }
0x32: {  	[tilespmem:$0x4F40] =	vst v61  }
0x33: {  	s25 =	simm.s32 $0x70;
	[tilespmem:$0x4FC0] =	vst v62  }
0x34: {  	[tilespmem:s17], [sflag:$0x1] =	stream.indirect.gather [hbm4b:s0+s15], $0x80, s16, s15, $0xb8;
	[tilespmem:$0x1D980] =	vst v63  }
0x35: {  	v0 =	vld [tilespmem:s25+$0xFFFFFFE0];
	_ =	sdelay $0x4  }
0x36: {  	s26 =	simm.s32 $0x27F0;
	[tilespmem:$0x7800] =	vst v0  }
0x37: {  	v0 =	vld [tilespmem:s26+$0xFFFFFFE0];
	_ =	sdelay $0x4  }
0x38: {  	[tilespmem:$0x7880] =	vst v0  }
0x39: {  	v0 =	vld [tilespmem:s25+$0xFFFFFFF0];
	_ =	sdelay $0x4  }
0x3a: {  	[tilespmem:$0x7810] =	vst v0  }
0x3b: {  	v0 =	vld [tilespmem:s26+$0xFFFFFFF0];
	_ =	sdelay $0x4  }
0x3c: {  	[tilespmem:$0x7890] =	vst v0  }
0x3d: {  	v0 =	vld [tilespmem:s25+$0x0];
	_ =	sdelay $0x4  }
0x3e: {  	[tilespmem:$0x7820] =	vst v0  }
0x3f: {  	v0 =	vld [tilespmem:s26+$0x0];
	_ =	sdelay $0x4  }
0x40: {  	s28 =	sand.u32 $0x3FE0, s3;
	[tilespmem:$0x78A0] =	vst v0  }
0x41: {  	v0 =	vld [tilespmem:s28+$0x80];
	_ =	sdelay $0x4  }
0x42: {  	[tilespmem:$0x7830] =	vst v0  }
0x43: {  	v0 =	vld [tilespmem:s28+$0x2800];
	_ =	sdelay $0x4  }
0x44: {  	[tilespmem:$0x78B0] =	vst v0  }
0x45: {  	v0 =	vld [tilespmem:s25+$0x20];
	_ =	sdelay $0x4  }
0x46: {  	[tilespmem:$0x7840] =	vst v0  }
0x47: {  	v0 =	vld [tilespmem:s26+$0x20];
	_ =	sdelay $0x4  }
0x48: {  	[tilespmem:$0x78C0] =	vst v0  }
0x49: {  	[tilespmem:s19], [sflag:$0x2] =	stream.indirect.gather [hbm4b:s0+s15], $0x80, s18, s15, $0xb8;
	[tilespmem:$0x1D980] =	vst v63  }
0x4a: {  	_ =	swait.ge [sflag:s20], $0x2800  }
0x4b: {  	[sflag:s20] =	ssyncset.done $0x0  }
0x4c: {  	[sflag:s20] =	ssyncadd.s32 $0xFFFFD800  }
0x4d: {  	[spmem:s2] =	stream.indirect.scatter.add.f32 [tilespmem:s17], [sflag:$0x3], $0x80, s21, s15, $0xb8;
	[tilespmem:$0x1D980] =	vst v63  }
0x4e: {  	_ =	swait.ge [sflag:s12], $0x2800  }
0x4f: {  	[sflag:s12] =	ssyncset.done $0x0  }
0x50: {  	[sflag:s12] =	ssyncadd.s32 $0xFFFFD800  }
0x51: {  	v63 =	vld [tilespmem:s25+$0x30];
	_ =	sdelay $0x4  }
0x52: {  	[tilespmem:$0x4F00] =	vst v63  }
0x53: {  	v0 =	vld [tilespmem:s26+$0x30];
	_ =	sdelay $0x4  }
0x54: {  	[tilespmem:$0x4F80] =	vst v0  }
0x55: {  	v0 =	vld [tilespmem:s25+$0x40];
	_ =	sdelay $0x4  }
0x56: {  	[tilespmem:$0x4F10] =	vst v0  }
0x57: {  	v0 =	vld [tilespmem:s26+$0x40];
	_ =	sdelay $0x4  }
0x58: {  	[tilespmem:$0x4F90] =	vst v0  }
0x59: {  	v0 =	vld [tilespmem:s25+$0x50];
	_ =	sdelay $0x4  }
0x5a: {  	[tilespmem:$0x4F20] =	vst v0  }
0x5b: {  	v0 =	vld [tilespmem:s26+$0x50];
	_ =	sdelay $0x4  }
0x5c: {  	[tilespmem:$0x4FA0] =	vst v0  }
0x5d: {  	v0 =	vld [tilespmem:s25+$0x60];
	_ =	sdelay $0x4  }
0x5e: {  	[tilespmem:$0x4F30] =	vst v0  }
0x5f: {  	v0 =	vld [tilespmem:s26+$0x60];
	_ =	sdelay $0x4  }
0x60: {  	[tilespmem:$0x4FB0] =	vst v0  }
0x61: {  	v0 =	vld [tilespmem:s25+$0x70];
	_ =	sdelay $0x4  }
0x62: {  	[tilespmem:$0x4F40] =	vst v0  }
0x63: {  	v0 =	vld [tilespmem:s26+$0x70];
	_ =	sdelay $0x4  }
0x64: {  	[tilespmem:$0x4FC0] =	vst v0  }
0x65: {  	[tilespmem:s17], [sflag:$0x1] =	stream.indirect.gather [hbm4b:s0+s15], $0x80, s16, s15, $0xb8;
	[tilespmem:$0x1D980] =	vst v63  }
0x66: {  	_ =	swait.ge [sflag:s22], $0x2800  }
0x67: {  	[sflag:s22] =	ssyncset.done $0x0  }
0x68: {  	[sflag:s22] =	ssyncadd.s32 $0xFFFFD800  }
0x69: {  	[spmem:s2] =	stream.indirect.scatter.add.f32 [tilespmem:s19], [sflag:$0x3], $0x80, s23, s15, $0xb8;
	[tilespmem:$0x1D980] =	vst v63  }
0x6a: {  	_ =	swait.ge [sflag:s12], $0x2800  }
0x6b: {  	s28 =	simm.s32 $0xA0;
	[sflag:s12] =	ssyncset.done $0x0  }
.LBB2_2:
0x6c: {  	[sflag:s12] =	ssyncadd.s32 $0xFFFFD800;
	s26 =	sadd.s32 $0xA0, s26;
	s25 =	sadd.s32 $0xA0, s25  }
0x6d: {  	p1 =	sne.s32 s28, $0x2620;
	s29 =	smov.u32 s28;
	s28 =	sadd.s32 $0xA0, s28;
	v0 =	vld [tilespmem:s25+$0xFFFFFFE0]  }
0x6e: {  	_ =	sdelay $0x3  }
0x6f: {  	[tilespmem:$0x7800] =	vst v0  }
0x70: {  	v0 =	vld [tilespmem:s26+$0xFFFFFFE0];
	_ =	sdelay $0x4  }
0x71: {  	[tilespmem:$0x7880] =	vst v0  }
0x72: {  	v0 =	vld [tilespmem:s25+$0xFFFFFFF0];
	_ =	sdelay $0x4  }
0x73: {  	[tilespmem:$0x7810] =	vst v0  }
0x74: {  	v0 =	vld [tilespmem:s26+$0xFFFFFFF0];
	_ =	sdelay $0x4  }
0x75: {  	[tilespmem:$0x7890] =	vst v0  }
0x76: {  	v0 =	vld [tilespmem:s25+$0x0];
	_ =	sdelay $0x4  }
0x77: {  	[tilespmem:$0x7820] =	vst v0  }
0x78: {  	v0 =	vld [tilespmem:s26+$0x0];
	_ =	sdelay $0x4  }
0x79: {  	s29 =	sand.u32 $0x3FE0, s29;
	[tilespmem:$0x78A0] =	vst v0  }
0x7a: {  	v0 =	vld [tilespmem:s29+$0x80];
	_ =	sdelay $0x4  }
0x7b: {  	[tilespmem:$0x7830] =	vst v0  }
0x7c: {  	v0 =	vld [tilespmem:s29+$0x2800];
	_ =	sdelay $0x4  }
0x7d: {  	[tilespmem:$0x78B0] =	vst v0  }
0x7e: {  	v0 =	vld [tilespmem:s25+$0x20];
	_ =	sdelay $0x4  }
0x7f: {  	[tilespmem:$0x7840] =	vst v0  }
0x80: {  	v0 =	vld [tilespmem:s26+$0x20];
	_ =	sdelay $0x4  }
0x81: {  	[tilespmem:$0x78C0] =	vst v0  }
0x82: {  	[tilespmem:s19], [sflag:$0x2] =	stream.indirect.gather [hbm4b:s0+s15], $0x80, s18, s15, $0xb8;
	[tilespmem:$0x1D980] =	vst v63  }
0x83: {  	_ =	swait.ge [sflag:s20], $0x2800  }
0x84: {  	[sflag:s20] =	ssyncset.done $0x0  }
0x85: {  	[sflag:s20] =	ssyncadd.s32 $0xFFFFD800  }
0x86: {  	[spmem:s2] =	stream.indirect.scatter.add.f32 [tilespmem:s17], [sflag:$0x3], $0x80, s21, s15, $0xb8;
	[tilespmem:$0x1D980] =	vst v63  }
0x87: {  	_ =	swait.ge [sflag:s12], $0x2800  }
0x88: {  	[sflag:s12] =	ssyncset.done $0x0  }
0x89: {  	[sflag:s12] =	ssyncadd.s32 $0xFFFFD800  }
0x8a: {  	v0 =	vld [tilespmem:s25+$0x30];
	_ =	sdelay $0x4  }
0x8b: {  	[tilespmem:$0x4F00] =	vst v0  }
0x8c: {  	v0 =	vld [tilespmem:s26+$0x30];
	_ =	sdelay $0x4  }
0x8d: {  	[tilespmem:$0x4F80] =	vst v0  }
0x8e: {  	v0 =	vld [tilespmem:s25+$0x40];
	_ =	sdelay $0x4  }
0x8f: {  	[tilespmem:$0x4F10] =	vst v0  }
0x90: {  	v0 =	vld [tilespmem:s26+$0x40];
	_ =	sdelay $0x4  }
0x91: {  	[tilespmem:$0x4F90] =	vst v0  }
0x92: {  	v0 =	vld [tilespmem:s25+$0x50];
	_ =	sdelay $0x4  }
0x93: {  	[tilespmem:$0x4F20] =	vst v0  }
0x94: {  	v0 =	vld [tilespmem:s26+$0x50];
	_ =	sdelay $0x4  }
0x95: {  	[tilespmem:$0x4FA0] =	vst v0  }
0x96: {  	v0 =	vld [tilespmem:s25+$0x60];
	_ =	sdelay $0x4  }
0x97: {  	[tilespmem:$0x4F30] =	vst v0  }
0x98: {  	v0 =	vld [tilespmem:s26+$0x60];
	_ =	sdelay $0x4  }
0x99: {  	[tilespmem:$0x4FB0] =	vst v0  }
0x9a: {  	v0 =	vld [tilespmem:s25+$0x70];
	_ =	sdelay $0x4  }
0x9b: {  	[tilespmem:$0x4F40] =	vst v0  }
0x9c: {  	v0 =	vld [tilespmem:s26+$0x70];
	_ =	sdelay $0x4  }
0x9d: {  	[tilespmem:$0x4FC0] =	vst v0  }
0x9e: {  	[tilespmem:s17], [sflag:$0x1] =	stream.indirect.gather [hbm4b:s0+s15], $0x80, s16, s15, $0xb8;
	[tilespmem:$0x1D980] =	vst v63  }
0x9f: {  	_ =	swait.ge [sflag:s22], $0x2800  }
.Ltmp0:
0xa0: {  	[sflag:s22] =	ssyncset.done $0x0;
	(pc) =	sbr.rel @p1 .LBB2_2-.Ltmp0, $4  }
0xa1: {  	[sflag:s22] =	ssyncadd.s32 $0xFFFFD800  }
0xa2: {  	[spmem:s2] =	stream.indirect.scatter.add.f32 [tilespmem:s19], [sflag:$0x3], $0x80, s23, s15, $0xb8;
	[tilespmem:$0x1D980] =	vst v63  }
0xa3: {  	_ =	swait.ge [sflag:s12], $0x2800  }
0xa4: {  	[sflag:s12] =	ssyncset.done $0x0  }
0xa5: {  	[sflag:s12] =	ssyncadd.s32 $0xFFFFD800  }
0xa6: {  	_ =	swait.ge [sflag:s20], $0x2800  }
0xa7: {  	[sflag:s20] =	ssyncset.done $0x0  }
0xa8: {  	[sflag:s20] =	ssyncadd.s32 $0xFFFFD800  }
0xa9: {  	[spmem:s2] =	stream.indirect.scatter.add.f32 [tilespmem:s17], [sflag:$0x3], $0x80, s21, s15, $0xb8;
	[tilespmem:$0x1D980] =	vst v63  }
0xaa: {  	_ =	swait.ge [sflag:s12], $0x2800  }
0xab: {  	[sflag:s12] =	ssyncset.done $0x0  }
0xac: {  	[sflag:s12] =	ssyncadd.s32 $0xFFFFD800  }
0xad: {  	[bflag:$0x0] =	sbarrier.arrive $0xFFFF  }
0xae: {  	[hbm:s8], [sflag:s5] =	dma.local [spmem:s11], $0x2700  }
0xaf: {  	s24 =	sadd.s32 $0x1, s24;
	_ =	swait.ge [sflag:s12], $0x2700  }
0xb0: {  	p1 =	sne.s32 s24, s10;
	[sflag:s12] =	ssyncset.done $0x0  }
.Ltmp1:
0xb1: {  	s25 =	simm.s32 @!p0 $0x3;
	[sflag:s12] =	ssyncadd.s32 $0xFFFFD900;
	(pc) =	sbr.rel @p1 .LBB2_1-.Ltmp1, $4  }
0xb2: {  	[hbm:s9], [sflag:s5] =	dma.local @!p0 [spmem:s13], $0x100  }
0xb3: {  	_ =	swait.ge @!p0 [sflag:s25], $0x100  }
0xb4: {  	[sflag:s25] =	ssyncset.done @!p0 $0x0  }
0xb5: {  	[sflag:s25] =	ssyncadd.s32 @!p0 $0xFFFFFF00  }
0xb6: {  	_ =	sfence.sel $0x180000  }
0xb7: {  	[bflag:$0x0] =	sbarrier.arrive $0xFFFF  }
0xb8: {  	_ =	strace $0x90000047  }
0xb9: {  	s0 =	sadd.s32 @!p0 $0x100000, s1;
	[bflag:$0x2] =	sbarrier.arrive $0xFFFF  }
0xba: {  	[sflag:s0] =	ssyncadd.tile.s32 @!p0 $0x1;
	_ =	shalt  }
.Lfunc_end2:
_tile_overlayer_lowered:
.L_overlay_start_2:
0xbb: {  	(tag) =	ssettag $0x2  }
0xbc: {  	s0 =	rddreg [dreg:$0x0];
	s2 =	stileid.u32  }
0xbd: {  	s1 =	rddreg [dreg:$0x1];
	p0 =	sne.s32 s2, $0x0  }
0xbe: {  	s3 =	rddreg [dreg:$0x2];
	[bflag:$0x3] =	sbarrier.arrive $0xFFFF;
	s2 =	simm.s32 @!p0 $0x1C03  }
0xbf: {  	[timem:s3], [sflag:s2] =	dma.local @!p0 [hbm:s0], s1  }
0xc0: {  	s0 =	simm.s32 @!p0 $0x3  }
0xc1: {  	_ =	swait.ge @!p0 [sflag:s0], s1  }
0xc2: {  	s1 =	ssub.s32 @!p0 $0x0, s1;
	[sflag:s0] =	ssyncset.done @!p0 $0x0  }
0xc3: {  	[sflag:s0] =	ssyncadd.s32 @!p0 s1  }
0xc4: {  	[bflag:$0x3] =	sbarrier.arrive $0xFFFF  }
0xc5: {  	_ =	shalt  }

</sc_bundles>
